<compile_context>
chip_gen: v7x
topology: tpu7x:2x2x1
jax: 0.10.2.dev20260603
libtpu: 0.0.44.dev20260713+nightly
codegen_flags: <defaults>
</compile_context>

<pallas_src>
import jax
import jax.numpy as jnp
from jax.experimental import pallas as pl
from jax.experimental.pallas import tpu as pltpu

Q_TOT = 1024
N_DB = 100000
D_F = 32
K_TOP = 9

QB = 256
NC = 2048
NB = 2 * NC
NBLK = 25
NPAD = NBLK * NB
OUTW = 16


def _topk_kernel(q_ref, db_ref, out_ref, m1, m2, m3, r1, r2, r3):
    nb = pl.program_id(2)

    @pl.when(nb == 0)
    def _init():
        m1[...] = jnp.full((QB, NC), -3.0, jnp.float32)
        m2[...] = jnp.full((QB, NC), -3.0, jnp.float32)
        m3[...] = jnp.full((QB, NC), -3.0, jnp.float32)
        r1[...] = jnp.zeros((QB, NC), jnp.float32)
        r2[...] = jnp.zeros((QB, NC), jnp.float32)
        r3[...] = jnp.zeros((QB, NC), jnp.float32)

    q = q_ref[0]
    db = db_ref[0]
    s = jax.lax.dot_general(q, db, (((1,), (1,)), ((), ())),
                            preferred_element_type=jnp.float32)

    sA = s[:, :NC]
    sB = s[:, NC:]
    rA = (2 * nb).astype(jnp.float32)
    rB = rA + 1.0
    cp = sA >= sB
    hi = jnp.where(cp, sA, sB)
    lo = jnp.where(cp, sB, sA)
    rhi = jnp.where(cp, rA, rB)
    rlo = jnp.where(cp, rB, rA)

    m1v, m2v, m3v = m1[...], m2[...], m3[...]
    r1v, r2v, r3v = r1[...], r2[...], r3[...]
    c1 = m1v >= hi
    a1 = jnp.where(c1, m1v, hi)
    b1 = jnp.where(c1, hi, m1v)
    ra1 = jnp.where(c1, r1v, rhi)
    rb1 = jnp.where(c1, rhi, r1v)
    c2 = m2v >= lo
    a2 = jnp.where(c2, m2v, lo)
    b2 = jnp.where(c2, lo, m2v)
    ra2 = jnp.where(c2, r2v, rlo)
    rb2 = jnp.where(c2, rlo, r2v)
    c3 = b1 >= a2
    s2 = jnp.where(c3, b1, a2)
    t1 = jnp.where(c3, a2, b1)
    rs2 = jnp.where(c3, rb1, ra2)
    rt1 = jnp.where(c3, ra2, rb1)
    c4 = m3v >= b2
    t2 = jnp.where(c4, m3v, b2)
    rt2 = jnp.where(c4, r3v, rb2)
    c5 = t1 >= t2
    s3 = jnp.where(c5, t1, t2)
    rs3 = jnp.where(c5, rt1, rt2)

    m1[...] = a1
    m2[...] = s2
    m3[...] = s3
    r1[...] = ra1
    r2[...] = rs2
    r3[...] = rs3

    @pl.when(nb == NBLK - 1)
    def _finalize():
        vals = jnp.concatenate([m1[...], m2[...], m3[...]], axis=1)
        rids = jnp.concatenate([r1[...], r2[...], r3[...]], axis=1)
        cls = (jax.lax.broadcasted_iota(jnp.int32, (QB, 3 * NC), 1)
               % NC).astype(jnp.float32)
        nidx = rids * float(NC) + cls
        picks = []
        v = vals
        for _ in range(K_TOP):
            m = jnp.max(v, axis=1, keepdims=True)
            cand = jnp.where(v >= m, nidx, 1e9)
            pick = jnp.min(cand, axis=1, keepdims=True)
            picks.append(pick)
            v = jnp.where(nidx == pick, -5.0, v)
        picks.append(jnp.zeros((QB, OUTW - K_TOP), jnp.float32))
        out_ref[0] = jnp.concatenate(picks, axis=1)


@jax.jit
def kernel(f_content, f_distorsion, semantic_features, distorsion_features,
           metrics):
    fc = f_content / jnp.linalg.norm(f_content, axis=-1, keepdims=True)
    fd = f_distorsion / jnp.linalg.norm(f_distorsion, axis=-1, keepdims=True)
    queries = jnp.stack([fc, fd], axis=0).astype(jnp.bfloat16)
    pad = ((0, NPAD - N_DB), (0, 0))
    db = jnp.stack([jnp.pad(semantic_features, pad),
                    jnp.pad(distorsion_features, pad)],
                   axis=0).astype(jnp.bfloat16)

    idx_f = pl.pallas_call(
        _topk_kernel,
        grid=(2, Q_TOT // QB, NBLK),
        in_specs=[
            pl.BlockSpec((1, QB, D_F), lambda b, qb, nb: (b, qb, 0)),
            pl.BlockSpec((1, NB, D_F), lambda b, qb, nb: (b, nb, 0)),
        ],
        out_specs=pl.BlockSpec((1, QB, OUTW), lambda b, qb, nb: (b, qb, 0)),
        out_shape=jax.ShapeDtypeStruct((2, Q_TOT, OUTW), jnp.float32),
        scratch_shapes=[pltpu.VMEM((QB, NC), jnp.float32) for _ in range(6)],
    )(queries, db)

    idx = idx_f[:, :, :K_TOP].astype(jnp.int32)
    m_sem = jnp.take(metrics, idx[0], axis=0)
    m_dst = jnp.take(metrics, idx[1], axis=0)
    retrieved_result = jnp.stack([m_sem, m_dst], axis=-1).reshape(Q_TOT,
                                                                  2 * K_TOP)
    result = retrieved_result.mean(axis=-1)
    return (result, retrieved_result)

# --- scband reference (transcript-rebuilt; emitter-appended) ---
"""Pipeline reference for scband-no-ref-ret-iqanet-70849780515286 (READ-ONLY COPY).

The authoritative reference and input builder live on the scoring server;
editing this copy changes nothing except your own understanding.
"""

import jax, jax.numpy as jnp
import numpy as np

Q = 1024
N = 100000
D = 32
K = 9

def setup_inputs(seed: int = 0) -> dict:
    key = jax.random.key(seed)
    ks = jax.random.split(key, 5)
    f_content = jax.random.normal(ks[0], (Q, D), dtype=jnp.float32)
    f_distorsion = jax.random.normal(ks[1], (Q, D), dtype=jnp.float32)
    sem = jax.random.normal(ks[2], (N, D), dtype=jnp.float32)
    dst = jax.random.normal(ks[3], (N, D), dtype=jnp.float32)
    # DB features are L2-normalized once at __init__ time in the original module
    sem = sem / jnp.linalg.norm(sem, axis=-1, keepdims=True)
    dst = dst / jnp.linalg.norm(dst, axis=-1, keepdims=True)
    metrics = jax.random.uniform(ks[4], (N,), dtype=jnp.float32) * 100.0
    return {
        'f_content': f_content,
        'f_distorsion': f_distorsion,
        'semantic_features': sem,
        'distorsion_features': dst,
        'metrics': metrics,
    }

def reference(f_content, f_distorsion, semantic_features, distorsion_features, metrics):
    # Semantic branch: normalize query features, cosine sim vs DB, take top-K
    fc = f_content / jnp.linalg.norm(f_content, axis=-1, keepdims=True)
    sem_cos = fc @ semantic_features.T                      # [Q, N]
    values_sem, idx_sem = jax.lax.top_k(sem_cos, K)         # [Q, K]
    # Distortion branch
    fd = f_distorsion / jnp.linalg.norm(f_distorsion, axis=-1, keepdims=True)
    dst_cos = fd @ distorsion_features.T                    # [Q, N]
    values_dst, idx_dst = jax.lax.top_k(dst_cos, K)         # [Q, K]
    # Gather quality metrics of retrieved neighbors (unweighted path, weighted=False)
    m_sem = jnp.take(metrics, idx_sem, axis=0)              # [Q, K]
    m_dst = jnp.take(metrics, idx_dst, axis=0)              # [Q, K]
    # Original loop appends sem metric then dst metric per neighbor -> interleave
    retrieved_result = jnp.stack([m_sem, m_dst], axis=-1).reshape(f_content.shape[0], 2 * K)
    result = retrieved_result.mean(axis=-1)                 # statistics.mean over 2K values
    return (result, retrieved_result)

if __name__ == "__main__":
    import jax
    _d = setup_inputs()
    print(jax.jit(kernel)(*tuple(_d.values())))

</pallas_src>

<mosaic_0001>
module attributes {stable_mosaic.version = 14 : i64} {
  func.func @_topk_kernel(%arg0: i32, %arg1: i32, %arg2: i32, %arg3: memref<1x256x32xbf16, #tpu.memory_space<vmem>>, %arg4: memref<1x4096x32xbf16, #tpu.memory_space<vmem>>, %arg5: memref<1x256x16xf32, #tpu.memory_space<vmem>>, %arg6: memref<256x2048xf32, #tpu.memory_space<vmem>>, %arg7: memref<256x2048xf32, #tpu.memory_space<vmem>>, %arg8: memref<256x2048xf32, #tpu.memory_space<vmem>>, %arg9: memref<256x2048xf32, #tpu.memory_space<vmem>>, %arg10: memref<256x2048xf32, #tpu.memory_space<vmem>>, %arg11: memref<256x2048xf32, #tpu.memory_space<vmem>>) attributes {dimension_semantics = [#tpu.dimension_semantics<arbitrary>, #tpu.dimension_semantics<arbitrary>, #tpu.dimension_semantics<arbitrary>], iteration_bounds = array<i64: 2, 4, 25>, scalar_prefetch = 0 : i64, scratch_operands = 6 : i64, tpu.core_type = #tpu.core_type<tc>, window_params = [{transform_indices = @transform_0, window_bounds = array<i64: 1, 256, 32>}, {transform_indices = @transform_1, window_bounds = array<i64: 1, 4096, 32>}, {transform_indices = @transform_2, window_bounds = array<i64: 1, 256, 16>}]} {
    %eq3A = arith.constant 0 : i32
    %eq3A_0 = arith.cmpi eq, %arg2, %eq3A : i32
    %convert_element_type3A = arith.extui %eq3A_0 : i1 to i32
    %cond3A = arith.constant 0 : i32
    %cond3A_1 = arith.cmpi ne, %convert_element_type3A, %cond3A : i32
    scf.if %cond3A_1 {
      %broadcast_in_dim3A_83 = arith.constant -3.000000e+00 : f32
      %broadcast_in_dim3A_84 = vector.broadcast %broadcast_in_dim3A_83 : f32 to vector<256x2048xf32>
      %swap3A_85 = arith.constant 0 : index
      %swap3A_86 = arith.constant 0 : index
      %swap3A_87 = vector.load %arg6[%swap3A_85, %swap3A_86] : memref<256x2048xf32, #tpu.memory_space<vmem>>, vector<256x2048xf32>
      tpu.vector_store %arg6[%swap3A_85, %swap3A_86], %broadcast_in_dim3A_84 {strides = array<i32>} : memref<256x2048xf32, #tpu.memory_space<vmem>>, vector<256x2048xf32>,
      %broadcast_in_dim3A_88 = arith.constant -3.000000e+00 : f32
      %broadcast_in_dim3A_89 = vector.broadcast %broadcast_in_dim3A_88 : f32 to vector<256x2048xf32>
      %swap3A_90 = arith.constant 0 : index
      %swap3A_91 = arith.constant 0 : index
      %swap3A_92 = vector.load %arg7[%swap3A_90, %swap3A_91] : memref<256x2048xf32, #tpu.memory_space<vmem>>, vector<256x2048xf32>
      tpu.vector_store %arg7[%swap3A_90, %swap3A_91], %broadcast_in_dim3A_89 {strides = array<i32>} : memref<256x2048xf32, #tpu.memory_space<vmem>>, vector<256x2048xf32>,
      %broadcast_in_dim3A_93 = arith.constant -3.000000e+00 : f32
      %broadcast_in_dim3A_94 = vector.broadcast %broadcast_in_dim3A_93 : f32 to vector<256x2048xf32>
      %swap3A_95 = arith.constant 0 : index
      %swap3A_96 = arith.constant 0 : index
      %swap3A_97 = vector.load %arg8[%swap3A_95, %swap3A_96] : memref<256x2048xf32, #tpu.memory_space<vmem>>, vector<256x2048xf32>
      tpu.vector_store %arg8[%swap3A_95, %swap3A_96], %broadcast_in_dim3A_94 {strides = array<i32>} : memref<256x2048xf32, #tpu.memory_space<vmem>>, vector<256x2048xf32>,
      %broadcast_in_dim3A_98 = arith.constant 0.000000e+00 : f32
      %broadcast_in_dim3A_99 = vector.broadcast %broadcast_in_dim3A_98 : f32 to vector<256x2048xf32>
      %swap3A_100 = arith.constant 0 : index
      %swap3A_101 = arith.constant 0 : index
      %swap3A_102 = vector.load %arg9[%swap3A_100, %swap3A_101] : memref<256x2048xf32, #tpu.memory_space<vmem>>, vector<256x2048xf32>
      tpu.vector_store %arg9[%swap3A_100, %swap3A_101], %broadcast_in_dim3A_99 {strides = array<i32>} : memref<256x2048xf32, #tpu.memory_space<vmem>>, vector<256x2048xf32>,
      %broadcast_in_dim3A_103 = arith.constant 0.000000e+00 : f32
      %broadcast_in_dim3A_104 = vector.broadcast %broadcast_in_dim3A_103 : f32 to vector<256x2048xf32>
      %swap3A_105 = arith.constant 0 : index
      %swap3A_106 = arith.constant 0 : index
      %swap3A_107 = vector.load %arg10[%swap3A_105, %swap3A_106] : memref<256x2048xf32, #tpu.memory_space<vmem>>, vector<256x2048xf32>
      tpu.vector_store %arg10[%swap3A_105, %swap3A_106], %broadcast_in_dim3A_104 {strides = array<i32>} : memref<256x2048xf32, #tpu.memory_space<vmem>>, vector<256x2048xf32>,
      %broadcast_in_dim3A_108 = arith.constant 0.000000e+00 : f32
      %broadcast_in_dim3A_109 = vector.broadcast %broadcast_in_dim3A_108 : f32 to vector<256x2048xf32>
      %swap3A_110 = arith.constant 0 : index
      %swap3A_111 = arith.constant 0 : index
      %swap3A_112 = vector.load %arg11[%swap3A_110, %swap3A_111] : memref<256x2048xf32, #tpu.memory_space<vmem>>, vector<256x2048xf32>
      tpu.vector_store %arg11[%swap3A_110, %swap3A_111], %broadcast_in_dim3A_109 {strides = array<i32>} : memref<256x2048xf32, #tpu.memory_space<vmem>>, vector<256x2048xf32>,
    } else {
    }
    %get3A = arith.constant 0 : index
    %get3A_2 = arith.constant 0 : index
    %get3A_3 = arith.constant 0 : index
    %get3A_4 = vector.load %arg3[%get3A, %get3A_2, %get3A_3] : memref<1x256x32xbf16, #tpu.memory_space<vmem>>, vector<1x256x32xbf16>
    %get3A_5 = vector.shape_cast %get3A_4 : vector<1x256x32xbf16> to vector<256x32xbf16>
    %get3A_6 = arith.constant 0 : index
    %get3A_7 = arith.constant 0 : index
    %get3A_8 = arith.constant 0 : index
    %get3A_9 = vector.load %arg4[%get3A_6, %get3A_7, %get3A_8] : memref<1x4096x32xbf16, #tpu.memory_space<vmem>>, vector<1x4096x32xbf16>
    %get3A_10 = vector.shape_cast %get3A_9 : vector<1x4096x32xbf16> to vector<4096x32xbf16>
    %dot_general3A = arith.constant dense<0.000000e+00> : vector<256x4096xf32>
    %dot_general3A_11 = tpu.matmul %get3A_5, %get3A_10, %dot_general3A {dimension_numbers = #tpu.dot_dimension_numbers<[1], [1], [0], [0], [0, 0, 1, 0], [], []>, transpose_lhs_hint = false} : vector<256x32xbf16>, vector<4096x32xbf16>, vector<256x4096xf32> -> vector<256x4096xf32>
    %slice3A = vector.extract_strided_slice %dot_general3A_11 {offsets = [0, 0], sizes = [256, 2048], strides = [1, 1]} : vector<256x4096xf32> to vector<256x2048xf32>
    %slice3A_12 = vector.extract_strided_slice %dot_general3A_11 {offsets = [0, 2048], sizes = [256, 2048], strides = [1, 1]} : vector<256x4096xf32> to vector<256x2048xf32>
    %mul3A = arith.constant 2 : i32
    %mul3A_13 = arith.muli %mul3A, %arg2 : i32
    %convert_element_type3A_14 = arith.sitofp %mul3A_13 : i32 to f32
    %add3A = arith.constant 1.000000e+00 : f32
    %add3A_15 = arith.addf %convert_element_type3A_14, %add3A : f32
    %ge3A = arith.cmpf oge, %slice3A, %slice3A_12 : vector<256x2048xf32>
    %select_n3A = arith.select %ge3A, %slice3A, %slice3A_12 : vector<256x2048xi1>, vector<256x2048xf32>
    %select_n3A_16 = arith.select %ge3A, %slice3A_12, %slice3A : vector<256x2048xi1>, vector<256x2048xf32>
    %broadcast_in_dim3A = vector.broadcast %convert_element_type3A_14 : f32 to vector<256x2048xf32>
    %broadcast_in_dim3A_17 = vector.broadcast %add3A_15 : f32 to vector<256x2048xf32>
    %select_n3A_18 = arith.select %ge3A, %broadcast_in_dim3A, %broadcast_in_dim3A_17 : vector<256x2048xi1>, vector<256x2048xf32>
    %broadcast_in_dim3A_19 = vector.broadcast %add3A_15 : f32 to vector<256x2048xf32>
    %broadcast_in_dim3A_20 = vector.broadcast %convert_element_type3A_14 : f32 to vector<256x2048xf32>
    %select_n3A_21 = arith.select %ge3A, %broadcast_in_dim3A_19, %broadcast_in_dim3A_20 : vector<256x2048xi1>, vector<256x2048xf32>
    %get3A_22 = arith.constant 0 : index
    %get3A_23 = arith.constant 0 : index
    %get3A_24 = vector.load %arg6[%get3A_22, %get3A_23] : memref<256x2048xf32, #tpu.memory_space<vmem>>, vector<256x2048xf32>
    %get3A_25 = arith.constant 0 : index
    %get3A_26 = arith.constant 0 : index
    %get3A_27 = vector.load %arg7[%get3A_25, %get3A_26] : memref<256x2048xf32, #tpu.memory_space<vmem>>, vector<256x2048xf32>
    %get3A_28 = arith.constant 0 : index
    %get3A_29 = arith.constant 0 : index
    %get3A_30 = vector.load %arg8[%get3A_28, %get3A_29] : memref<256x2048xf32, #tpu.memory_space<vmem>>, vector<256x2048xf32>
    %get3A_31 = arith.constant 0 : index
    %get3A_32 = arith.constant 0 : index
    %get3A_33 = vector.load %arg9[%get3A_31, %get3A_32] : memref<256x2048xf32, #tpu.memory_space<vmem>>, vector<256x2048xf32>
    %get3A_34 = arith.constant 0 : index
    %get3A_35 = arith.constant 0 : index
    %get3A_36 = vector.load %arg10[%get3A_34, %get3A_35] : memref<256x2048xf32, #tpu.memory_space<vmem>>, vector<256x2048xf32>
    %get3A_37 = arith.constant 0 : index
    %get3A_38 = arith.constant 0 : index
    %get3A_39 = vector.load %arg11[%get3A_37, %get3A_38] : memref<256x2048xf32, #tpu.memory_space<vmem>>, vector<256x2048xf32>
    %ge3A_40 = arith.cmpf oge, %get3A_24, %select_n3A : vector<256x2048xf32>
    %select_n3A_41 = arith.select %ge3A_40, %get3A_24, %select_n3A : vector<256x2048xi1>, vector<256x2048xf32>
    %select_n3A_42 = arith.select %ge3A_40, %select_n3A, %get3A_24 : vector<256x2048xi1>, vector<256x2048xf32>
    %select_n3A_43 = arith.select %ge3A_40, %get3A_33, %select_n3A_18 : vector<256x2048xi1>, vector<256x2048xf32>
    %select_n3A_44 = arith.select %ge3A_40, %select_n3A_18, %get3A_33 : vector<256x2048xi1>, vector<256x2048xf32>
    %ge3A_45 = arith.cmpf oge, %get3A_27, %select_n3A_16 : vector<256x2048xf32>
    %select_n3A_46 = arith.select %ge3A_45, %get3A_27, %select_n3A_16 : vector<256x2048xi1>, vector<256x2048xf32>
    %select_n3A_47 = arith.select %ge3A_45, %select_n3A_16, %get3A_27 : vector<256x2048xi1>, vector<256x2048xf32>
    %select_n3A_48 = arith.select %ge3A_45, %get3A_36, %select_n3A_21 : vector<256x2048xi1>, vector<256x2048xf32>
    %select_n3A_49 = arith.select %ge3A_45, %select_n3A_21, %get3A_36 : vector<256x2048xi1>, vector<256x2048xf32>
    %ge3A_50 = arith.cmpf oge, %select_n3A_42, %select_n3A_46 : vector<256x2048xf32>
    %select_n3A_51 = arith.select %ge3A_50, %select_n3A_42, %select_n3A_46 : vector<256x2048xi1>, vector<256x2048xf32>
    %select_n3A_52 = arith.select %ge3A_50, %select_n3A_46, %select_n3A_42 : vector<256x2048xi1>, vector<256x2048xf32>
    %select_n3A_53 = arith.select %ge3A_50, %select_n3A_44, %select_n3A_48 : vector<256x2048xi1>, vector<256x2048xf32>
    %select_n3A_54 = arith.select %ge3A_50, %select_n3A_48, %select_n3A_44 : vector<256x2048xi1>, vector<256x2048xf32>
    %ge3A_55 = arith.cmpf oge, %get3A_30, %select_n3A_47 : vector<256x2048xf32>
    %select_n3A_56 = arith.select %ge3A_55, %get3A_30, %select_n3A_47 : vector<256x2048xi1>, vector<256x2048xf32>
    %select_n3A_57 = arith.select %ge3A_55, %get3A_39, %select_n3A_49 : vector<256x2048xi1>, vector<256x2048xf32>
    %ge3A_58 = arith.cmpf oge, %select_n3A_52, %select_n3A_56 : vector<256x2048xf32>
    %select_n3A_59 = arith.select %ge3A_58, %select_n3A_52, %select_n3A_56 : vector<256x2048xi1>, vector<256x2048xf32>
    %select_n3A_60 = arith.select %ge3A_58, %select_n3A_54, %select_n3A_57 : vector<256x2048xi1>, vector<256x2048xf32>
    %swap3A = arith.constant 0 : index
    %swap3A_61 = arith.constant 0 : index
    %swap3A_62 = vector.load %arg6[%swap3A, %swap3A_61] : memref<256x2048xf32, #tpu.memory_space<vmem>>, vector<256x2048xf32>
    tpu.vector_store %arg6[%swap3A, %swap3A_61], %select_n3A_41 {strides = array<i32>} : memref<256x2048xf32, #tpu.memory_space<vmem>>, vector<256x2048xf32>,
    %swap3A_63 = arith.constant 0 : index
    %swap3A_64 = arith.constant 0 : index
    %swap3A_65 = vector.load %arg7[%swap3A_63, %swap3A_64] : memref<256x2048xf32, #tpu.memory_space<vmem>>, vector<256x2048xf32>
    tpu.vector_store %arg7[%swap3A_63, %swap3A_64], %select_n3A_51 {strides = array<i32>} : memref<256x2048xf32, #tpu.memory_space<vmem>>, vector<256x2048xf32>,
    %swap3A_66 = arith.constant 0 : index
    %swap3A_67 = arith.constant 0 : index
    %swap3A_68 = vector.load %arg8[%swap3A_66, %swap3A_67] : memref<256x2048xf32, #tpu.memory_space<vmem>>, vector<256x2048xf32>
    tpu.vector_store %arg8[%swap3A_66, %swap3A_67], %select_n3A_59 {strides = array<i32>} : memref<256x2048xf32, #tpu.memory_space<vmem>>, vector<256x2048xf32>,
    %swap3A_69 = arith.constant 0 : index
    %swap3A_70 = arith.constant 0 : index
    %swap3A_71 = vector.load %arg9[%swap3A_69, %swap3A_70] : memref<256x2048xf32, #tpu.memory_space<vmem>>, vector<256x2048xf32>
    tpu.vector_store %arg9[%swap3A_69, %swap3A_70], %select_n3A_43 {strides = array<i32>} : memref<256x2048xf32, #tpu.memory_space<vmem>>, vector<256x2048xf32>,
    %swap3A_72 = arith.constant 0 : index
    %swap3A_73 = arith.constant 0 : index
    %swap3A_74 = vector.load %arg10[%swap3A_72, %swap3A_73] : memref<256x2048xf32, #tpu.memory_space<vmem>>, vector<256x2048xf32>
    tpu.vector_store %arg10[%swap3A_72, %swap3A_73], %select_n3A_53 {strides = array<i32>} : memref<256x2048xf32, #tpu.memory_space<vmem>>, vector<256x2048xf32>,
    %swap3A_75 = arith.constant 0 : index
    %swap3A_76 = arith.constant 0 : index
    %swap3A_77 = vector.load %arg11[%swap3A_75, %swap3A_76] : memref<256x2048xf32, #tpu.memory_space<vmem>>, vector<256x2048xf32>
    tpu.vector_store %arg11[%swap3A_75, %swap3A_76], %select_n3A_60 {strides = array<i32>} : memref<256x2048xf32, #tpu.memory_space<vmem>>, vector<256x2048xf32>,
    %eq3A_78 = arith.constant 24 : i32
    %eq3A_79 = arith.cmpi eq, %arg2, %eq3A_78 : i32
    %convert_element_type3A_80 = arith.extui %eq3A_79 : i1 to i32
    %cond3A_81 = arith.constant 0 : i32
    %cond3A_82 = arith.cmpi ne, %convert_element_type3A_80, %cond3A_81 : i32
    scf.if %cond3A_82 {
      %get3A_83 = arith.constant 0 : index
      %get3A_84 = arith.constant 0 : index
      %get3A_85 = vector.load %arg6[%get3A_83, %get3A_84] : memref<256x2048xf32, #tpu.memory_space<vmem>>, vector<256x2048xf32>
      %get3A_86 = arith.constant 0 : index
      %get3A_87 = arith.constant 0 : index
      %get3A_88 = vector.load %arg7[%get3A_86, %get3A_87] : memref<256x2048xf32, #tpu.memory_space<vmem>>, vector<256x2048xf32>
      %get3A_89 = arith.constant 0 : index
      %get3A_90 = arith.constant 0 : index
      %get3A_91 = vector.load %arg8[%get3A_89, %get3A_90] : memref<256x2048xf32, #tpu.memory_space<vmem>>, vector<256x2048xf32>
      %concatenate3A = tpu.concatenate %get3A_85, %get3A_88, %get3A_91 in 1 : vector<256x2048xf32>, vector<256x2048xf32>, vector<256x2048xf32> -> vector<256x6144xf32>
      %get3A_92 = arith.constant 0 : index
      %get3A_93 = arith.constant 0 : index
      %get3A_94 = vector.load %arg9[%get3A_92, %get3A_93] : memref<256x2048xf32, #tpu.memory_space<vmem>>, vector<256x2048xf32>
      %get3A_95 = arith.constant 0 : index
      %get3A_96 = arith.constant 0 : index
      %get3A_97 = vector.load %arg10[%get3A_95, %get3A_96] : memref<256x2048xf32, #tpu.memory_space<vmem>>, vector<256x2048xf32>
      %get3A_98 = arith.constant 0 : index
      %get3A_99 = arith.constant 0 : index
      %get3A_100 = vector.load %arg11[%get3A_98, %get3A_99] : memref<256x2048xf32, #tpu.memory_space<vmem>>, vector<256x2048xf32>
      %concatenate3A_101 = tpu.concatenate %get3A_94, %get3A_97, %get3A_100 in 1 : vector<256x2048xf32>, vector<256x2048xf32>, vector<256x2048xf32> -> vector<256x6144xf32>
      %iota3A = tpu.iota {dimensions = array<i32: 1>} : vector<256x6144xi32>
      %jit3A = arith.constant 2048 : i32
      %eq3A_102 = arith.constant 0 : i32
      %eq3A_103 = arith.cmpi eq, %jit3A, %eq3A_102 : i32
      %jit3A_104 = arith.constant 1 : i32
      %select_n3A_105 = arith.select %eq3A_103, %jit3A_104, %jit3A : i32
      %rem3A = vector.broadcast %select_n3A_105 : i32 to vector<256x6144xi32>
      %rem3A_106 = arith.remsi %iota3A, %rem3A : vector<256x6144xi32>
      %ne3A = arith.constant 0 : i32
      %ne3A_107 = vector.broadcast %ne3A : i32 to vector<256x6144xi32>
      %ne3A_108 = arith.cmpi ne, %rem3A_106, %ne3A_107 : vector<256x6144xi32>
      %lt3A = arith.constant 0 : i32
      %lt3A_109 = vector.broadcast %lt3A : i32 to vector<256x6144xi32>
      %lt3A_110 = arith.cmpi slt, %rem3A_106, %lt3A_109 : vector<256x6144xi32>
      %lt3A_111 = arith.constant 0 : i32
      %lt3A_112 = arith.cmpi slt, %select_n3A_105, %lt3A_111 : i32
      %ne3A_113 = vector.broadcast %lt3A_112 : i1 to vector<256x6144xi1>
      %ne3A_114 = vector.broadcast %ne3A_113 : vector<256x6144xi1> to vector<256x6144xi1>
      %ne3A_115 = arith.xori %lt3A_110, %ne3A_114 : vector<256x6144xi1>
      %and3A = arith.andi %ne3A_115, %ne3A_108 : vector<256x6144xi1>
      %add3A_116 = vector.broadcast %select_n3A_105 : i32 to vector<256x6144xi32>
      %add3A_117 = arith.addi %rem3A_106, %add3A_116 : vector<256x6144xi32>
      %select_n3A_118 = arith.select %and3A, %add3A_117, %rem3A_106 : vector<256x6144xi1>, vector<256x6144xi32>
      %convert_element_type3A_119 = arith.sitofp %select_n3A_118 : vector<256x6144xi32> to vector<256x6144xf32>
      %mul3A_120 = arith.constant 2.048000e+03 : f32
      %mul3A_121 = vector.broadcast %mul3A_120 : f32 to vector<256x6144xf32>
      %mul3A_122 = arith.mulf %concatenate3A_101, %mul3A_121 : vector<256x6144xf32>
      %add3A_123 = arith.addf %mul3A_122, %convert_element_type3A_119 : vector<256x6144xf32>
      %reduce_max3A = arith.constant dense<0xFF800000> : vector<256xf32>
      %reduce_max3A_124 = vector.multi_reduction <maximumf>, %concatenate3A, %reduce_max3A [1] : vector<256x6144xf32> to vector<256xf32>
      %broadcast_in_dim3A_125 = vector.shape_cast %reduce_max3A_124 : vector<256xf32> to vector<256x1xf32>
      %ge3A_126 = vector.broadcast %broadcast_in_dim3A_125 : vector<256x1xf32> to vector<256x6144xf32>
      %ge3A_127 = arith.cmpf oge, %concatenate3A, %ge3A_126 : vector<256x6144xf32>
      %jit3A_128 = arith.constant 1.000000e+09 : f32
      %broadcast_in_dim3A_129 = vector.broadcast %jit3A_128 : f32 to vector<256x6144xf32>
      %select_n3A_130 = arith.select %ge3A_127, %add3A_123, %broadcast_in_dim3A_129 : vector<256x6144xi1>, vector<256x6144xf32>
      %reduce_min3A = arith.constant dense<0x7F800000> : vector<256xf32>
      %reduce_min3A_131 = vector.multi_reduction <minimumf>, %select_n3A_130, %reduce_min3A [1] : vector<256x6144xf32> to vector<256xf32>
      %broadcast_in_dim3A_132 = vector.shape_cast %reduce_min3A_131 : vector<256xf32> to vector<256x1xf32>
      %eq3A_133 = vector.broadcast %broadcast_in_dim3A_132 : vector<256x1xf32> to vector<256x6144xf32>
      %eq3A_134 = arith.cmpf oeq, %add3A_123, %eq3A_133 : vector<256x6144xf32>
      %jit3A_135 = arith.constant -5.000000e+00 : f32
      %broadcast_in_dim3A_136 = vector.broadcast %jit3A_135 : f32 to vector<256x6144xf32>
      %select_n3A_137 = arith.select %eq3A_134, %broadcast_in_dim3A_136, %concatenate3A : vector<256x6144xi1>, vector<256x6144xf32>
      %reduce_max3A_138 = arith.constant dense<0xFF800000> : vector<256xf32>
      %reduce_max3A_139 = vector.multi_reduction <maximumf>, %select_n3A_137, %reduce_max3A_138 [1] : vector<256x6144xf32> to vector<256xf32>
      %broadcast_in_dim3A_140 = vector.shape_cast %reduce_max3A_139 : vector<256xf32> to vector<256x1xf32>
      %ge3A_141 = vector.broadcast %broadcast_in_dim3A_140 : vector<256x1xf32> to vector<256x6144xf32>
      %ge3A_142 = arith.cmpf oge, %select_n3A_137, %ge3A_141 : vector<256x6144xf32>
      %jit3A_143 = arith.constant 1.000000e+09 : f32
      %broadcast_in_dim3A_144 = vector.broadcast %jit3A_143 : f32 to vector<256x6144xf32>
      %select_n3A_145 = arith.select %ge3A_142, %add3A_123, %broadcast_in_dim3A_144 : vector<256x6144xi1>, vector<256x6144xf32>
      %reduce_min3A_146 = arith.constant dense<0x7F800000> : vector<256xf32>
      %reduce_min3A_147 = vector.multi_reduction <minimumf>, %select_n3A_145, %reduce_min3A_146 [1] : vector<256x6144xf32> to vector<256xf32>
      %broadcast_in_dim3A_148 = vector.shape_cast %reduce_min3A_147 : vector<256xf32> to vector<256x1xf32>
      %eq3A_149 = vector.broadcast %broadcast_in_dim3A_148 : vector<256x1xf32> to vector<256x6144xf32>
      %eq3A_150 = arith.cmpf oeq, %add3A_123, %eq3A_149 : vector<256x6144xf32>
      %jit3A_151 = arith.constant -5.000000e+00 : f32
      %broadcast_in_dim3A_152 = vector.broadcast %jit3A_151 : f32 to vector<256x6144xf32>
      %select_n3A_153 = arith.select %eq3A_150, %broadcast_in_dim3A_152, %select_n3A_137 : vector<256x6144xi1>, vector<256x6144xf32>
      %reduce_max3A_154 = arith.constant dense<0xFF800000> : vector<256xf32>
      %reduce_max3A_155 = vector.multi_reduction <maximumf>, %select_n3A_153, %reduce_max3A_154 [1] : vector<256x6144xf32> to vector<256xf32>
      %broadcast_in_dim3A_156 = vector.shape_cast %reduce_max3A_155 : vector<256xf32> to vector<256x1xf32>
      %ge3A_157 = vector.broadcast %broadcast_in_dim3A_156 : vector<256x1xf32> to vector<256x6144xf32>
      %ge3A_158 = arith.cmpf oge, %select_n3A_153, %ge3A_157 : vector<256x6144xf32>
      %jit3A_159 = arith.constant 1.000000e+09 : f32
      %broadcast_in_dim3A_160 = vector.broadcast %jit3A_159 : f32 to vector<256x6144xf32>
      %select_n3A_161 = arith.select %ge3A_158, %add3A_123, %broadcast_in_dim3A_160 : vector<256x6144xi1>, vector<256x6144xf32>
      %reduce_min3A_162 = arith.constant dense<0x7F800000> : vector<256xf32>
      %reduce_min3A_163 = vector.multi_reduction <minimumf>, %select_n3A_161, %reduce_min3A_162 [1] : vector<256x6144xf32> to vector<256xf32>
      %broadcast_in_dim3A_164 = vector.shape_cast %reduce_min3A_163 : vector<256xf32> to vector<256x1xf32>
      %eq3A_165 = vector.broadcast %broadcast_in_dim3A_164 : vector<256x1xf32> to vector<256x6144xf32>
      %eq3A_166 = arith.cmpf oeq, %add3A_123, %eq3A_165 : vector<256x6144xf32>
      %jit3A_167 = arith.constant -5.000000e+00 : f32
      %broadcast_in_dim3A_168 = vector.broadcast %jit3A_167 : f32 to vector<256x6144xf32>
      %select_n3A_169 = arith.select %eq3A_166, %broadcast_in_dim3A_168, %select_n3A_153 : vector<256x6144xi1>, vector<256x6144xf32>
      %reduce_max3A_170 = arith.constant dense<0xFF800000> : vector<256xf32>
      %reduce_max3A_171 = vector.multi_reduction <maximumf>, %select_n3A_169, %reduce_max3A_170 [1] : vector<256x6144xf32> to vector<256xf32>
      %broadcast_in_dim3A_172 = vector.shape_cast %reduce_max3A_171 : vector<256xf32> to vector<256x1xf32>
      %ge3A_173 = vector.broadcast %broadcast_in_dim3A_172 : vector<256x1xf32> to vector<256x6144xf32>
      %ge3A_174 = arith.cmpf oge, %select_n3A_169, %ge3A_173 : vector<256x6144xf32>
      %jit3A_175 = arith.constant 1.000000e+09 : f32
      %broadcast_in_dim3A_176 = vector.broadcast %jit3A_175 : f32 to vector<256x6144xf32>
      %select_n3A_177 = arith.select %ge3A_174, %add3A_123, %broadcast_in_dim3A_176 : vector<256x6144xi1>, vector<256x6144xf32>
      %reduce_min3A_178 = arith.constant dense<0x7F800000> : vector<256xf32>
      %reduce_min3A_179 = vector.multi_reduction <minimumf>, %select_n3A_177, %reduce_min3A_178 [1] : vector<256x6144xf32> to vector<256xf32>
      %broadcast_in_dim3A_180 = vector.shape_cast %reduce_min3A_179 : vector<256xf32> to vector<256x1xf32>
      %eq3A_181 = vector.broadcast %broadcast_in_dim3A_180 : vector<256x1xf32> to vector<256x6144xf32>
      %eq3A_182 = arith.cmpf oeq, %add3A_123, %eq3A_181 : vector<256x6144xf32>
      %jit3A_183 = arith.constant -5.000000e+00 : f32
      %broadcast_in_dim3A_184 = vector.broadcast %jit3A_183 : f32 to vector<256x6144xf32>
      %select_n3A_185 = arith.select %eq3A_182, %broadcast_in_dim3A_184, %select_n3A_169 : vector<256x6144xi1>, vector<256x6144xf32>
      %reduce_max3A_186 = arith.constant dense<0xFF800000> : vector<256xf32>
      %reduce_max3A_187 = vector.multi_reduction <maximumf>, %select_n3A_185, %reduce_max3A_186 [1] : vector<256x6144xf32> to vector<256xf32>
      %broadcast_in_dim3A_188 = vector.shape_cast %reduce_max3A_187 : vector<256xf32> to vector<256x1xf32>
      %ge3A_189 = vector.broadcast %broadcast_in_dim3A_188 : vector<256x1xf32> to vector<256x6144xf32>
      %ge3A_190 = arith.cmpf oge, %select_n3A_185, %ge3A_189 : vector<256x6144xf32>
      %jit3A_191 = arith.constant 1.000000e+09 : f32
      %broadcast_in_dim3A_192 = vector.broadcast %jit3A_191 : f32 to vector<256x6144xf32>
      %select_n3A_193 = arith.select %ge3A_190, %add3A_123, %broadcast_in_dim3A_192 : vector<256x6144xi1>, vector<256x6144xf32>
      %reduce_min3A_194 = arith.constant dense<0x7F800000> : vector<256xf32>
      %reduce_min3A_195 = vector.multi_reduction <minimumf>, %select_n3A_193, %reduce_min3A_194 [1] : vector<256x6144xf32> to vector<256xf32>
      %broadcast_in_dim3A_196 = vector.shape_cast %reduce_min3A_195 : vector<256xf32> to vector<256x1xf32>
      %eq3A_197 = vector.broadcast %broadcast_in_dim3A_196 : vector<256x1xf32> to vector<256x6144xf32>
      %eq3A_198 = arith.cmpf oeq, %add3A_123, %eq3A_197 : vector<256x6144xf32>
      %jit3A_199 = arith.constant -5.000000e+00 : f32
      %broadcast_in_dim3A_200 = vector.broadcast %jit3A_199 : f32 to vector<256x6144xf32>
      %select_n3A_201 = arith.select %eq3A_198, %broadcast_in_dim3A_200, %select_n3A_185 : vector<256x6144xi1>, vector<256x6144xf32>
      %reduce_max3A_202 = arith.constant dense<0xFF800000> : vector<256xf32>
      %reduce_max3A_203 = vector.multi_reduction <maximumf>, %select_n3A_201, %reduce_max3A_202 [1] : vector<256x6144xf32> to vector<256xf32>
      %broadcast_in_dim3A_204 = vector.shape_cast %reduce_max3A_203 : vector<256xf32> to vector<256x1xf32>
      %ge3A_205 = vector.broadcast %broadcast_in_dim3A_204 : vector<256x1xf32> to vector<256x6144xf32>
      %ge3A_206 = arith.cmpf oge, %select_n3A_201, %ge3A_205 : vector<256x6144xf32>
      %jit3A_207 = arith.constant 1.000000e+09 : f32
      %broadcast_in_dim3A_208 = vector.broadcast %jit3A_207 : f32 to vector<256x6144xf32>
      %select_n3A_209 = arith.select %ge3A_206, %add3A_123, %broadcast_in_dim3A_208 : vector<256x6144xi1>, vector<256x6144xf32>
      %reduce_min3A_210 = arith.constant dense<0x7F800000> : vector<256xf32>
      %reduce_min3A_211 = vector.multi_reduction <minimumf>, %select_n3A_209, %reduce_min3A_210 [1] : vector<256x6144xf32> to vector<256xf32>
      %broadcast_in_dim3A_212 = vector.shape_cast %reduce_min3A_211 : vector<256xf32> to vector<256x1xf32>
      %eq3A_213 = vector.broadcast %broadcast_in_dim3A_212 : vector<256x1xf32> to vector<256x6144xf32>
      %eq3A_214 = arith.cmpf oeq, %add3A_123, %eq3A_213 : vector<256x6144xf32>
      %jit3A_215 = arith.constant -5.000000e+00 : f32
      %broadcast_in_dim3A_216 = vector.broadcast %jit3A_215 : f32 to vector<256x6144xf32>
      %select_n3A_217 = arith.select %eq3A_214, %broadcast_in_dim3A_216, %select_n3A_201 : vector<256x6144xi1>, vector<256x6144xf32>
      %reduce_max3A_218 = arith.constant dense<0xFF800000> : vector<256xf32>
      %reduce_max3A_219 = vector.multi_reduction <maximumf>, %select_n3A_217, %reduce_max3A_218 [1] : vector<256x6144xf32> to vector<256xf32>
      %broadcast_in_dim3A_220 = vector.shape_cast %reduce_max3A_219 : vector<256xf32> to vector<256x1xf32>
      %ge3A_221 = vector.broadcast %broadcast_in_dim3A_220 : vector<256x1xf32> to vector<256x6144xf32>
      %ge3A_222 = arith.cmpf oge, %select_n3A_217, %ge3A_221 : vector<256x6144xf32>
      %jit3A_223 = arith.constant 1.000000e+09 : f32
      %broadcast_in_dim3A_224 = vector.broadcast %jit3A_223 : f32 to vector<256x6144xf32>
      %select_n3A_225 = arith.select %ge3A_222, %add3A_123, %broadcast_in_dim3A_224 : vector<256x6144xi1>, vector<256x6144xf32>
      %reduce_min3A_226 = arith.constant dense<0x7F800000> : vector<256xf32>
      %reduce_min3A_227 = vector.multi_reduction <minimumf>, %select_n3A_225, %reduce_min3A_226 [1] : vector<256x6144xf32> to vector<256xf32>
      %broadcast_in_dim3A_228 = vector.shape_cast %reduce_min3A_227 : vector<256xf32> to vector<256x1xf32>
      %eq3A_229 = vector.broadcast %broadcast_in_dim3A_228 : vector<256x1xf32> to vector<256x6144xf32>
      %eq3A_230 = arith.cmpf oeq, %add3A_123, %eq3A_229 : vector<256x6144xf32>
      %jit3A_231 = arith.constant -5.000000e+00 : f32
      %broadcast_in_dim3A_232 = vector.broadcast %jit3A_231 : f32 to vector<256x6144xf32>
      %select_n3A_233 = arith.select %eq3A_230, %broadcast_in_dim3A_232, %select_n3A_217 : vector<256x6144xi1>, vector<256x6144xf32>
      %reduce_max3A_234 = arith.constant dense<0xFF800000> : vector<256xf32>
      %reduce_max3A_235 = vector.multi_reduction <maximumf>, %select_n3A_233, %reduce_max3A_234 [1] : vector<256x6144xf32> to vector<256xf32>
      %broadcast_in_dim3A_236 = vector.shape_cast %reduce_max3A_235 : vector<256xf32> to vector<256x1xf32>
      %ge3A_237 = vector.broadcast %broadcast_in_dim3A_236 : vector<256x1xf32> to vector<256x6144xf32>
      %ge3A_238 = arith.cmpf oge, %select_n3A_233, %ge3A_237 : vector<256x6144xf32>
      %jit3A_239 = arith.constant 1.000000e+09 : f32
      %broadcast_in_dim3A_240 = vector.broadcast %jit3A_239 : f32 to vector<256x6144xf32>
      %select_n3A_241 = arith.select %ge3A_238, %add3A_123, %broadcast_in_dim3A_240 : vector<256x6144xi1>, vector<256x6144xf32>
      %reduce_min3A_242 = arith.constant dense<0x7F800000> : vector<256xf32>
      %reduce_min3A_243 = vector.multi_reduction <minimumf>, %select_n3A_241, %reduce_min3A_242 [1] : vector<256x6144xf32> to vector<256xf32>
      %broadcast_in_dim3A_244 = vector.shape_cast %reduce_min3A_243 : vector<256xf32> to vector<256x1xf32>
      %eq3A_245 = vector.broadcast %broadcast_in_dim3A_244 : vector<256x1xf32> to vector<256x6144xf32>
      %eq3A_246 = arith.cmpf oeq, %add3A_123, %eq3A_245 : vector<256x6144xf32>
      %jit3A_247 = arith.constant -5.000000e+00 : f32
      %broadcast_in_dim3A_248 = vector.broadcast %jit3A_247 : f32 to vector<256x6144xf32>
      %select_n3A_249 = arith.select %eq3A_246, %broadcast_in_dim3A_248, %select_n3A_233 : vector<256x6144xi1>, vector<256x6144xf32>
      %reduce_max3A_250 = arith.constant dense<0xFF800000> : vector<256xf32>
      %reduce_max3A_251 = vector.multi_reduction <maximumf>, %select_n3A_249, %reduce_max3A_250 [1] : vector<256x6144xf32> to vector<256xf32>
      %broadcast_in_dim3A_252 = vector.shape_cast %reduce_max3A_251 : vector<256xf32> to vector<256x1xf32>
      %ge3A_253 = vector.broadcast %broadcast_in_dim3A_252 : vector<256x1xf32> to vector<256x6144xf32>
      %ge3A_254 = arith.cmpf oge, %select_n3A_249, %ge3A_253 : vector<256x6144xf32>
      %jit3A_255 = arith.constant 1.000000e+09 : f32
      %broadcast_in_dim3A_256 = vector.broadcast %jit3A_255 : f32 to vector<256x6144xf32>
      %select_n3A_257 = arith.select %ge3A_254, %add3A_123, %broadcast_in_dim3A_256 : vector<256x6144xi1>, vector<256x6144xf32>
      %reduce_min3A_258 = arith.constant dense<0x7F800000> : vector<256xf32>
      %reduce_min3A_259 = vector.multi_reduction <minimumf>, %select_n3A_257, %reduce_min3A_258 [1] : vector<256x6144xf32> to vector<256xf32>
      %broadcast_in_dim3A_260 = vector.shape_cast %reduce_min3A_259 : vector<256xf32> to vector<256x1xf32>
      %broadcast_in_dim3A_261 = arith.constant 0.000000e+00 : f32
      %broadcast_in_dim3A_262 = vector.broadcast %broadcast_in_dim3A_261 : f32 to vector<256x7xf32>
      %concatenate3A_263 = tpu.concatenate %broadcast_in_dim3A_132, %broadcast_in_dim3A_148, %broadcast_in_dim3A_164, %broadcast_in_dim3A_180, %broadcast_in_dim3A_196, %broadcast_in_dim3A_212, %broadcast_in_dim3A_228, %broadcast_in_dim3A_244, %broadcast_in_dim3A_260, %broadcast_in_dim3A_262 in 1 : vector<256x1xf32>, vector<256x1xf32>, vector<256x1xf32>, vector<256x1xf32>, vector<256x1xf32>, vector<256x1xf32>, vector<256x1xf32>, vector<256x1xf32>, vector<256x1xf32>, vector<256x7xf32> -> vector<256x16xf32>
      %swap3A_264 = arith.constant 0 : index
      %swap3A_265 = arith.constant 0 : index
      %swap3A_266 = arith.constant 0 : index
      %swap3A_267 = vector.load %arg5[%swap3A_264, %swap3A_265, %swap3A_266] : memref<1x256x16xf32, #tpu.memory_space<vmem>>, vector<1x256x16xf32>
      %swap3A_268 = vector.shape_cast %swap3A_267 : vector<1x256x16xf32> to vector<256x16xf32>
      %swap3A_269 = vector.shape_cast %concatenate3A_263 : vector<256x16xf32> to vector<1x256x16xf32>
      tpu.vector_store %arg5[%swap3A_264, %swap3A_265, %swap3A_266], %swap3A_269 {strides = array<i32>} : memref<1x256x16xf32, #tpu.memory_space<vmem>>, vector<1x256x16xf32>,
    } else {
    }
    return
  }
  func.func @transform_0(%arg0: i32, %arg1: i32, %arg2: i32) -> (i32, i32, i32) {
    %c0_i32 = arith.constant 0 : i32
    %c0_i32_0 = arith.constant 0 : i32
    return %arg0, %arg1, %c0_i32 : i32, i32, i32
  }
  func.func @transform_1(%arg0: i32, %arg1: i32, %arg2: i32) -> (i32, i32, i32) {
    %c0_i32 = arith.constant 0 : i32
    %c0_i32_0 = arith.constant 0 : i32
    return %arg0, %arg2, %c0_i32 : i32, i32, i32
  }
  func.func @transform_2(%arg0: i32, %arg1: i32, %arg2: i32) -> (i32, i32, i32) {
    %c0_i32 = arith.constant 0 : i32
    %c0_i32_0 = arith.constant 0 : i32
    return %arg0, %arg1, %c0_i32 : i32, i32, i32
  }
}

</mosaic_0001>

<sc_bundles>
// kernel: gather_offload_async_start.1
scs
__scs_entry_jumppad:
0x0: {  	(pc) =	sbr.rel $0x88, $3  }
0x1: {  	(tag) =	ssettag $0x0;
	lr =	simm.s32 $0x1  }
0x2: {  	[smem:$0x3F9C] =	sst lr;
	_ =	strace $0xD0000000  }
0x3: {  	_ = 	snop  }
0x4: {  	_ = 	snop  }
0x5: {  	_ = 	snop  }
0x6: {  	_ = 	snop  }
0x7: {  	_ = 	snop  }
__scs_overlays_trampoline_lowered:
0x8: {  	[smem:$0x3FAB] =	sst s0  }
0x9: {  	[smem:$0x3FAC] =	sst s1  }
0xa: {  	[smem:$0x3FAD] =	sst s2  }
0xb: {  	[smem:$0x3FAE] =	sst s3  }
0xc: {  	[smem:$0x3FAF] =	sst s4  }
0xd: {  	[smem:$0x3FB0] =	sst s5  }
0xe: {  	[smem:$0x3FB1] =	sst s6  }
0xf: {  	[smem:$0x3FB2] =	sst s7  }
0x10: {  	[smem:$0x3FB3] =	sst s8  }
0x11: {  	[smem:$0x3FB4] =	sst s9;
	s0 =	simm.s32 @!p0 $0x0  }
0x12: {  	s1 =	sld [smem:$0x3F9A];
	s0 =	simm.s32 @p0 $0x1  }
0x13: {  	[smem:$0x3FB5] =	sst s0;
	s0 =	simm.s32 @!p1 $0x0  }
0x14: {  	s2 =	sld [smem:$0x3F99];
	s0 =	simm.s32 @p1 $0x1  }
0x15: {  	[smem:$0x3FB6] =	sst s0;
	s0 =	simm.s32 @!p2 $0x0  }
0x16: {  	s3 =	sld [smem:$0x3FDB];
	s0 =	simm.s32 @p2 $0x1  }
0x17: {  	s4 =	simm.s32 $0x1BF5;
	[smem:$0x3FB8] =	sst s0  }
0x18: {  	s0 =	sld [smem:$0x3F9B];
	_ =	swait.ge [sflag:s4], $0x0  }
0x19: {  	s7 =	sld [smem:$0x3F9C]  }
0x1a: {  	s8 =	sadd.s32 $0xFFFFE003, lr  }
0x1b: {  	s9 =	sadd.s32 $0xFFFFFEF7, lr;
	s5 =	simm.s32 $0xFFFFFFFF;
	p2 =	slt.u32 s8, $0xFFFFF086  }
0x1c: {  	p1 =	slt.u32 s9, $0xF7A;
	s5 =	simm.s32 @!p2 $0x0  }
0x1d: {  	s5 =	simm.s32 @p1 $0x1;
	p0 =	seq.s32 s7, s2  }
0x1e: {  	s7 =	smul.u32 @!p0 $0xF7A, s2;
	p2 =	seq.s32 @!p0 s5, $0x0  }
0x1f: {  	s9 =	smul.u32 $0xF7A, s1;
	s8 =	simm.s32 @!p0 $0x1BF5;
	p2 =	por !p2, p0  }
0x20: {  	[sflag:s8] =	ssyncset.s32 @!p0 $0xFFFFF086;
	s6 =	sadd.s32 @!p0 s3, s7;
	s7 =	simm.s32 @!p0 $0x108  }
0x21: {  	s3 =	sadd.s32 s3, s9;
	s6 =	sadd.s32 @!p0 $0x88, s6;
	s7 =	simm.s32 @p2 $0x1082  }
0x22: {  	[simem:s7], [sflag:s8] =	dma.local @!p0 [hbm:s6], $0xF7A  }
0x23: {  	s9 =	sor.u32 $0xD0000000, s2;
	s6 =	simm.s32 $0x108;
	_ =	swait.ge @!p0 [sflag:s8], $0x0  }
0x24: {  	s3 =	sadd.s32 $0x88, s3;
	s6 =	simm.s32 @!p1 $0x1082;
	[sflag:s4] =	ssyncset.s32 $0xFFFFF086  }
0x25: {  	[simem:s6], [sflag:s4] =	dma.local [hbm:s3], $0xF7A  }
0x26: {  	[smem:$0x3F9C] =	sst s1;
	(tag) =	ssettag s2;
	_ =	strace s9  }
0x27: {  	s1 =	sld [smem:$0x3FAC]  }
0x28: {  	s2 =	sld [smem:$0x3FAD]  }
0x29: {  	s4 =	sld [smem:$0x3FAF]  }
0x2a: {  	p0 =	seq.s32 s5, $0x0;
	s5 =	sld [smem:$0x3FB0]  }
0x2b: {  	s6 =	sld [smem:$0x3FB1]  }
0x2c: {  	s7 =	sld [smem:$0x3FB2]  }
0x2d: {  	s3 =	simm.s32 $0x108;
	s8 =	sld [smem:$0x3FB3]  }
0x2e: {  	s3 =	simm.s32 @!p0 $0x1082;
	s9 =	sld [smem:$0x3FB4]  }
0x2f: {  	lr =	sadd.s32 s0, s3;
	s0 =	sld [smem:$0x3FAB]  }
0x30: {  	s3 =	sld [smem:$0x3FAE]  }
0x31: {  	[smem:$0x3FB7] =	sst s10  }
0x32: {  	s10 =	sld [smem:$0x3FB5];
	_ =	sdelay $0x3  }
0x33: {  	p0 =	seq.s32 s10, $0x1;
	s10 =	sld [smem:$0x3FB7];
	_ =	sdelay $0x3  }
0x34: {  	[smem:$0x3FB7] =	sst s10  }
0x35: {  	s10 =	sld [smem:$0x3FB6];
	_ =	sdelay $0x3  }
0x36: {  	p1 =	seq.s32 s10, $0x1;
	s10 =	sld [smem:$0x3FB7];
	_ =	sdelay $0x3  }
0x37: {  	[smem:$0x3FB7] =	sst s10  }
0x38: {  	s10 =	sld [smem:$0x3FB8]  }
0x39: {  	_ = 	snop;
	(pc) =	sbr.ind lr, $3  }
0x3a: {  	_ = 	snop  }
0x3b: {  	_ = 	snop  }
0x3c: {  	p2 =	seq.s32 s10, $0x1;
	s10 =	sld [smem:$0x3FB7]  }
0x3d: {  	_ =	shalt  }
0x3e: {  	_ =	shalt  }
0x3f: {  	_ =	shalt  }
0x40: {  	_ =	shalt  }
0x41: {  	_ =	shalt  }
0x42: {  	_ =	shalt  }
0x43: {  	_ =	shalt  }
0x44: {  	_ =	shalt  }
0x45: {  	_ =	shalt  }
0x46: {  	_ =	shalt  }
0x47: {  	_ =	shalt  }
0x48: {  	_ =	shalt  }
0x49: {  	_ =	shalt  }
0x4a: {  	_ =	shalt  }
0x4b: {  	_ =	shalt  }
0x4c: {  	_ =	shalt  }
0x4d: {  	_ =	shalt  }
0x4e: {  	_ =	shalt  }
0x4f: {  	_ =	shalt  }
0x50: {  	_ =	shalt  }
0x51: {  	_ =	shalt  }
0x52: {  	_ =	shalt  }
0x53: {  	_ =	shalt  }
0x54: {  	_ =	shalt  }
0x55: {  	_ =	shalt  }
0x56: {  	_ =	shalt  }
0x57: {  	_ =	shalt  }
0x58: {  	_ =	shalt  }
0x59: {  	_ =	shalt  }
0x5a: {  	_ =	shalt  }
0x5b: {  	_ =	shalt  }
0x5c: {  	_ =	shalt  }
0x5d: {  	_ =	shalt  }
0x5e: {  	_ =	shalt  }
0x5f: {  	_ =	shalt  }
0x60: {  	_ =	shalt  }
0x61: {  	_ =	shalt  }
0x62: {  	_ =	shalt  }
0x63: {  	_ =	shalt  }
0x64: {  	_ =	shalt  }
0x65: {  	_ =	shalt  }
0x66: {  	_ =	shalt  }
0x67: {  	_ =	shalt  }
0x68: {  	_ =	shalt  }
0x69: {  	_ =	shalt  }
0x6a: {  	_ =	shalt  }
0x6b: {  	_ =	shalt  }
0x6c: {  	_ =	shalt  }
0x6d: {  	_ =	shalt  }
0x6e: {  	_ =	shalt  }
0x6f: {  	_ =	shalt  }
0x70: {  	_ =	shalt  }
0x71: {  	_ =	shalt  }
0x72: {  	_ =	shalt  }
0x73: {  	_ =	shalt  }
0x74: {  	_ =	shalt  }
0x75: {  	_ =	shalt  }
0x76: {  	_ =	shalt  }
0x77: {  	_ =	shalt  }
0x78: {  	_ =	shalt  }
0x79: {  	_ =	shalt  }
0x7a: {  	_ =	shalt  }
0x7b: {  	_ =	shalt  }
0x7c: {  	_ =	shalt  }
0x7d: {  	_ =	shalt  }
0x7e: {  	_ =	shalt  }
0x7f: {  	_ =	shalt  }
0x80: {  	_ =	shalt  }
0x81: {  	_ =	shalt  }
0x82: {  	_ =	shalt  }
0x83: {  	_ =	shalt  }
0x84: {  	_ =	shalt  }
0x85: {  	_ =	shalt  }
0x86: {  	_ =	shalt  }
0x87: {  	_ =	shalt  }
.Lfunc_end0:
.L_simem_size_0:
called_computation.1_lowered:
.L_overlay_start_0:
0x88: {  	s2 =	sld [smem:$0x3FD9]  }
0x89: {  	s3 =	sld [smem:$0x3FFE];
	_ =	sdelay $0x1  }
0x8a: {  	s1 =	srdreg.scid  }
0x8b: {  	s0 =	sand.u32 $0x1, s1  }
0x8c: {  	s15 =	sshll.u32 s0, $0xA;
	s2 =	sadd.s32 s3, s2  }
0x8d: {  	s2 =	sadd.s32 s2, s15  }
0x8e: {  	[smem:$0x3FC3] =	sst s2  }
0x8f: {  	_ = 	snop  }
0x90: {  	s16 =	sld [smem:$0x3FD0];
	_ =	sdelay $0x2  }
0x91: {  	s4 =	simm.s32 $0xB;
	s5 =	simm.s32 $0x10;
	s2 =	sld [smem:$0x3FC5]  }
0x92: {  	[smem:s5], [sflag:s4] =	dma.local [hbm:s16], $0x1  }
0x93: {  	_ =	swait.eq [sflag:s4], $0x1  }
0x94: {  	[sflag:s4] =	ssyncset.done $0x0  }
0x95: {  	[sflag:s4] =	ssyncadd.s32 $0xFFFFFFFF  }
0x96: {  	s17 =	sld [smem:$0x11];
	(tm) =	ssettm $0x1  }
0x97: {  	s18 =	sld [smem:$0x3FFB];
	_ =	sdelay $0x3  }
0x98: {  	_ =	strace s18  }
0x99: {  	s3 =	sld [smem:$0x3FFC];
	_ =	sdelay $0x3  }
0x9a: {  	_ =	strace s3  }
0x9b: {  	s3 =	sld [smem:$0x3FFD];
	_ =	sdelay $0x3  }
0x9c: {  	_ =	strace s3  }
0x9d: {  	_ =	strace $0x8FFFFFFF  }
0x9e: {  	s19 =	sld [smem:$0x3FDB];
	_ =	sdelay $0x1  }
0x9f: {  	s20 =	simm.s32 $_scs_section_size  }
0xa0: {  	s6 =	simm.s32 $_size__tile_overlayer_lowered;
	s7 =	simm.s32 $_tile_overlayer_lowered  }
0xa1: {  	s8 =	simm.s32 $0x1BFF;
	s21 =	sshll.u32 s7, $0x1;
	s5 =	sadd.s32 s20, s19  }
0xa2: {  	s22 =	simm.s32 $0x0;
	s6 =	sshll.u32 s6, $0x1;
	s7 =	sadd.s32 s21, s5  }
0xa3: {  	[timem:s22], [sflag:s8] =	dma.local [hbm:s7], s6  }
0xa4: {  	_ =	swait.ge [sflag:s8], s6  }
0xa5: {  	s6 =	ssub.s32 $0x0, s6;
	[sflag:s8] =	ssyncset.done $0x0  }
0xa6: {  	[sflag:s8] =	ssyncadd.s32 s6;
	_ =	sdelay $0x1  }
0xa7: {  	s23 =	simm.s32 $0x1B8B  }
0xa8: {  	_ =	swait.ge [sflag:s23], $0x1  }
0xa9: {  	[sflag:s23] =	ssyncset.done $0x0  }
0xaa: {  	[sflag:s23] =	ssyncadd.s32 $0xFFFFFFFF  }
0xab: {  	s6 =	sld [smem:$0x0]  }
0xac: {  	s7 =	sand.u32 $0xFFFFFFFE, s1  }
0xad: {  	p0 =	sne.s32 s1, s7  }
0xae: {  	s7 =	sshll.u32 @p0 s7, $0xE  }
0xaf: {  	s7 =	sadd.s32 @p0 $0x11B8D, s7;
	s8 =	sshll.u32 @p0 s6, $0x11  }
0xb0: {  	s7 =	sor.u32 @p0 s8, s7  }
0xb1: {  	[sflag:s7] =	ssyncadd.remote.s32 @p0 $0x1;
	_ =	sdelay $0x1  }
0xb2: {  	s7 =	simm.s32 @p0 $0x1B8D  }
0xb3: {  	_ =	swait.eq @p0 [sflag:s7], $0x1  }
0xb4: {  	[sflag:s7] =	ssyncadd.s32 @p0 $0xFFFFFFFF  }
0xb5: {  	s8 =	sshll.u32 @!p0 s1, $0xE  }
0xb6: {  	s8 =	sor.u32 @!p0 $0x4000, s8;
	s7 =	simm.s32 @!p0 $0x1B8D  }
0xb7: {  	s6 =	sshll.u32 @!p0 s6, $0x11;
	s8 =	sadd.s32 @!p0 $0x11B8D, s8;
	_ =	swait.eq @!p0 [sflag:s7], $0x1  }
0xb8: {  	s6 =	sor.u32 @!p0 s6, s8;
	[sflag:s7] =	ssyncadd.s32 @!p0 $0xFFFFFFFF  }
0xb9: {  	s25 =	simm.s32 $0x1B8E;
	s24 =	sld [smem:$0x3FFE];
	[sflag:s6] =	ssyncadd.remote.s32 @!p0 $0x1  }
0xba: {  	s26 =	simm.s32 $execute0_lowered;
	[smem:$0x3FD2] =	sst s25  }
0xbb: {  	s7 =	sshll.u32 s26, $0x1;
	_ =	strace $0x80000049;
	[dreg:$0x1] =	wrdreg $0xFFFFFFFF  }
0xbc: {  	s28 =	simm.s32 $_size_execute0_lowered;
	s5 =	sadd.s32 s5, s7;
	[dreg:$0x0] =	wrdreg $0x0  }
0xbd: {  	s7 =	sshll.u32 s28, $0x1;
	[dreg:$0x2] =	wrdreg s5  }
0xbe: {  	[dreg:$0x3] =	wrdreg s7  }
0xbf: {  	[dreg:$0x4] =	wrdreg $0xC0  }
0xc0: {  	_ =	task [dreg:s22], $0x5FFFF  }
0xc1: {  	[dreg:$0x1] =	wrdreg $0xFFFFFFFF  }
0xc2: {  	[dreg:$0x0] =	wrdreg $0x60  }
0xc3: {  	[dreg:$0x2] =	wrdreg s2  }
0xc4: {  	[dreg:$0x3] =	wrdreg s17  }
0xc5: {  	[dreg:$0x4] =	wrdreg s24  }
0xc6: {  	[dreg:$0x5] =	wrdreg $0xA  }
0xc7: {  	_ =	task.clear_ibuf [dreg:s22], $0x6FFFF;
	_ =	strace $0x90000049  }
0xc8: {  	s29 =	simm.s32 $0xA;
	_ =	strace $0x8000004B  }
0xc9: {  	_ =	swait.ge [sflag:s29], $0x1  }
0xca: {  	[sflag:s29] =	ssyncadd.s32 $0xFFFFFFFF  }
0xcb: {  	_ =	strace $0x9000004B  }
0xcc: {  	_ =	sfence  }
0xcd: {  	s30 =	sld [smem:$0x0];
	_ =	sdelay $0x2  }
0xce: {  	s31 =	sshll.u32 s1, $0xD;
	s1 =	sshrl.u32 s1, $0x2  }
0xcf: {  	s4 =	sand.u32 $0x4000, s31;
	s1 =	sadd.s32 s1, s30  }
0xd0: {  	s0 =	sor.u32 s4, s0;
	s1 =	sshll.u32 s1, $0x11  }
0xd1: {  	s0 =	sor.u32 s1, s0  }
0xd2: {  	s0 =	sadd.s32 $0x8F2B, s0  }
0xd3: {  	[sflag:s0] =	ssyncadd.remote.s32 $0x1  }
0xd4: {  	_ =	sfence.sel $0xFFFF  }
0xd5: {  	[dreg:$0x0] =	wrdreg $0xFFFFFFFF;
	(pc) =	sbr.abs _section_cstart, $3  }
0xd6: {  	[dreg:$0x1] =	wrdreg $0xFFFFFFFF  }
0xd7: {  	_ =	task.clear_ibuf [dreg:s22], $0x2FFFF;
	_ =	strace $0x9FFFFFFF  }
0xd8: {  	(tm) =	ssettm $0x7FFFFFFF  }
0xd9: {  	_ =	shalt  }
tec
execute0_lowered:
.L_overlay_start_1:
0x0: {  	(tag) =	ssettag $0x1  }
0x1: {  	s2 =	rddreg [dreg:$0x0]  }
0x2: {  	s1 =	srdreg.scid;
	s3 =	rddreg [dreg:$0x1]  }
0x3: {  	s0 =	stileid.u32;
	s5 =	rddreg [dreg:$0x2]  }
0x4: {  	s9 =	simm.s32 $0x1;
	s10 =	simm.s32 $0x3;
	s1 =	sshll.u32 s1, $0x8  }
0x5: {  	s13 =	simm.s32 $0x0;
	s4 =	sshll.u32 s0, $0x9;
	s6 =	sand.u32 $0x100, s1  }
0x6: {  	s12 =	simm.s32 $0x0;
	s5 =	sadd.s32 $0x9200, s5;
	s4 =	sor.u32 s4, s6  }
0x7: {  	s1 =	rddreg [dreg:$0x3];
	_ =	strace $0x8000004A;
	s8 =	ssub.s32 $0x2400, s4  }
.Ltmp0:
0x8: {  	s6 =	simm.s32 $0x1;
	s7 =	sand.u32 $0x1F00, s8;
	(pc) =	sbr.rel .LBB2_1-.Ltmp0, $4  }
0x9: {  	[sflag:s6] =	ssyncpa.u1 $0x0;
	s11 =	smov.u32 s4;
	p0 =	sne.s32 s7, $0x0  }
0xa: {  	s8 =	sshrl.u32 s8, $0xD;
	s7 =	simm.s32 $0x2;
	s9 =	simm.s32 @!p0 $0x0  }
0xb: {  	[sflag:s7] =	ssyncpa.u1 $0x0;
	p0 =	por $0x0, $0x0;
	s8 =	sadd.s32 s9, s8  }
0xc: {  	vm0 =	vmmov $0xffff;
	[sflag:s10] =	ssyncpa.u1 $0x0;
	s10 =	simm.s32 $0x0;
	s9 =	sadd.s32 $0x1, s8  }
.LBB2_4:
0xd: {  	v2 =	vnsel vm1, $0x0, v2  }
0xe: {  	vm1 =	vgt.s32 v0, $0x0;
	v2 =	vmin.u32 v2, $0x1869F  }
0xf: {  	v0 =	vnsel vm1, $0x0, v0  }
0x10: {  	v0 =	vmin.u32 v0, $0x1869F  }
0x11: {  	[tilespmem:s15], [sflag:$0x1] =	stream.indirect_vreg.gather [hbm4b:s2+s10], $0x1, v1, vm0, $0x4038;
	[tilespmem:$0x400] =	vst v63  }
0x12: {  	(ifvalue) =	ssetifvalue $0x7FFFFFFF  }
0x13: {  	[tilespmem:s16], [sflag:$0x1] =	stream.indirect_vreg.gather [hbm4b:s2+s10], $0x1, v2, vm0, $0x4038;
	[tilespmem:$0x400] =	vst v63  }
0x14: {  	s29 =	sadd.s32 $0x10, s16;
	(ifvalue) =	ssetifvalue $0x7FFFFFFF  }
0x15: {  	[tilespmem:s29], [sflag:$0x1] =	stream.indirect_vreg.gather [hbm4b:s2+s10], $0x1, v0, vm0, $0x4038;
	[tilespmem:$0x400] =	vst v63  }
0x16: {  	_ =	swait.ge [sflag:s6], $0x100  }
0x17: {  	s30 =	sshrl.u32 s13, $0x3;
	[sflag:s6] =	ssyncset.done $0x0  }
0x18: {  	s31 =	sand.u32 $0x7, s13;
	s15 =	sadd.s32 s5, s30;
	[sflag:s6] =	ssyncadd.s32 $0xFFFFFF00  }
0x19: {  	[hbm4b:s15+s31] =	stream.linear.scatter [tilespmem:s14], [sflag:$0x3], $0x100, $0x38;
	[tilespmem:$0x400] =	vst v63  }
.LBB2_5:
0x1a: {  	s15 =	sadd.s32 $0x2000, s11  }
0x1b: {  	p2 =	sgt.s32 s15, $0x23FF  }
0x1c: {  	s15 =	smov.u32 @p2 s4;
	p2 =	sne.s32 s12, s9  }
.Ltmp1:
0x1d: {  	p1 =	slt.u32 s12, $0x2;
	(pc) =	sbr.rel @!p2 .LBB2_6-.Ltmp1, $4  }
0x1e: {  	s14 =	simm.s32 @!p1 $0x3  }
0x1f: {  	s16 =	sadd.s32 $0x1, s12;
	_ =	swait.ge @!p1 [sflag:s14], $0x100  }
0x20: {  	s13 =	smov.u32 s11;
	p0 =	por !p0, !p0;
	[sflag:s14] =	ssyncset.done @!p1 $0x0  }
0x21: {  	s12 =	smov.u32 s16;
	s11 =	smov.u32 s15;
	[sflag:s14] =	ssyncadd.s32 @!p1 $0xFFFFFF00  }
.LBB2_1:
0x22: {  	p1 =	sge.u32 s12, s8  }
0x23: {  	s14 =	sxor.u32 @!p1 $0xFFFFFFFF, s12  }
0x24: {  	s31 =	sadd.s32 $0xFFFFFFFF, s12;
	s15 =	sshrl.u32 @!p1 s11, $0x3;
	s14 =	sshll.u32 @!p1 s14, $0x8  }
0x25: {  	s16 =	sand.u32 @!p1 $0x7, s11;
	s15 =	sadd.s32 @!p1 s3, s15;
	s14 =	sand.u32 @!p1 $0x100, s14  }
0x26: {  	[tilespmem:s14], [sflag:$0x2] =	stream.linear.gather @!p1 [hbm4b:s15+s16], $0x100, $0x38;
	[tilespmem:$0x400] =	vst v63  }
0x27: {  	p1 =	sge.u32 s31, s8  }
.Ltmp2:
0x28: {  	_ = 	snop;
	(pc) =	sbr.rel @p1 .LBB2_5-.Ltmp2, $1  }
0x29: {  	_ =	sdelay $0x3  }
0x2a: {  	s14 =	simm.s32 $0x1  }
0x2b: {  	_ =	swait.ge [sflag:s7], $0x100;
	s14 =	simm.s32 @!p0 $0x0  }
0x2c: {  	[sflag:s7] =	ssyncset.done $0x0;
	s14 =	sshll.u32 s14, $0x8  }
0x2d: {  	[sflag:s7] =	ssyncadd.s32 $0xFFFFFF00;
	(ifvalue) =	ssetifvalue $0x7FFFFFFF;
	v0 =	vld.msk [tilespmem:s14+$0x0 ss:$0x1], $0xffff;
	_ =	sdelay $0x4  }
0x2e: {  	s15 =	sadd.s32 $0x10, s14;
	vm1 =	vgt.s32 v0, $0x0  }
0x2f: {  	v2 =	vld.msk [tilespmem:s15+$0x0 ss:$0x1], $0xffff;
	v1 =	vnsel vm1, $0x0, v0  }
0x30: {  	v1 =	vmin.u32 v1, $0x1869F;
	_ =	sdelay $0x1  }
0x31: {  	s16 =	sshll.u32 s12, $0x8;
	s18 =	simm.s32 $0x20  }
0x32: {  	s16 =	sand.u32 $0x100, s16;
	s17 =	sadd.s32 $0x10, s15;
	s15 =	sor.u32 $0x200, s14  }
0x33: {  	s14 =	sor.u32 $0x200, s16;
	s16 =	sadd.s32 $0x10, s15;
	v0 =	vld.msk [tilespmem:s17+$0x0 ss:$0x1], $0xffff;
	vm1 =	vgt.s32 v2, $0x0;
	(ifvalue) =	ssetifvalue $0x7FFFFFFF  }
.LBB2_3:
0x34: {  	[tilespmem:s15], [sflag:$0x1] =	stream.indirect_vreg.gather [hbm4b:s2+s10], $0x1, v1, vm0, $0x4038;
	[tilespmem:$0x400] =	vst v63  }
0x35: {  	s18 =	sadd.s32 $0x10, s18  }
0x36: {  	v2 =	vnsel vm1, $0x0, v2;
	p1 =	slt.u32 s18, $0xF0  }
.Ltmp3:
0x37: {  	s15 =	smov.u32 s16;
	v1 =	vmin.u32 v2, $0x1869F;
	(pc) =	sbr.rel @p1 .LBB2_3-.Ltmp3, $3  }
0x38: {  	_ =	sdelay $0x1  }
0x39: {  	s17 =	sadd.s32 $0x10, s17  }
0x3a: {  	vm1 =	vgt.s32 v0, $0x0;
	s16 =	sadd.s32 $0x10, s16;
	v2 =	vmov v0;
	(ifvalue) =	ssetifvalue $0x7FFFFFFF;
	v0 =	vld.msk [tilespmem:s17+$0x0 ss:$0x1], $0xffff  }
.Ltmp4:
0x3b: {  	_ = 	snop;
	(pc) =	sbr.rel .LBB2_4-.Ltmp4, $1  }
0x3c: {  	_ =	sdelay $0x3  }
.LBB2_6:
0x3d: {  	_ =	sfence.sel $0x180000  }
0x3e: {  	s2 =	simm.s32 $0x2;
	[bflag:$0x0] =	sbarrier.arrive $0xFFFF  }
0x3f: {  	s30 =	simm.s32 $0x3;
	[sflag:s2] =	ssyncpa.u1 $0x1  }
0x40: {  	s31 =	simm.s32 $0x1;
	[sflag:s30] =	ssyncpa.u1 $0x1  }
0x41: {  	[sflag:s31] =	ssyncpa.u1 $0x1  }
0x42: {  	p0 =	sne.s32 s0, $0x0;
	_ =	strace $0x9000004A  }
0x43: {  	s0 =	sadd.s32 @!p0 $0x100000, s1;
	[bflag:$0x2] =	sbarrier.arrive $0xFFFF  }
0x44: {  	[sflag:s0] =	ssyncadd.tile.s32 @!p0 $0x1;
	_ =	shalt  }
.Lfunc_end2:
_tile_overlayer_lowered:
.L_overlay_start_2:
0x45: {  	(tag) =	ssettag $0x2  }
0x46: {  	s0 =	rddreg [dreg:$0x0];
	s2 =	stileid.u32  }
0x47: {  	s1 =	rddreg [dreg:$0x1];
	p0 =	sne.s32 s2, $0x0  }
0x48: {  	s3 =	rddreg [dreg:$0x2];
	[bflag:$0x3] =	sbarrier.arrive $0xFFFF;
	s2 =	simm.s32 @!p0 $0x1C01  }
0x49: {  	[timem:s3], [sflag:s2] =	dma.local @!p0 [hbm:s0], s1  }
0x4a: {  	s0 =	simm.s32 @!p0 $0x1  }
0x4b: {  	_ =	swait.ge @!p0 [sflag:s0], s1  }
0x4c: {  	s1 =	ssub.s32 @!p0 $0x0, s1;
	[sflag:s0] =	ssyncset.done @!p0 $0x0  }
0x4d: {  	[sflag:s0] =	ssyncadd.s32 @!p0 s1  }
0x4e: {  	[bflag:$0x3] =	sbarrier.arrive $0xFFFF  }
0x4f: {  	_ =	shalt  }

// kernel: gather_offload_async_start
scs
__scs_entry_jumppad:
0x0: {  	(pc) =	sbr.rel $0x88, $3  }
0x1: {  	(tag) =	ssettag $0x0;
	lr =	simm.s32 $0x1  }
0x2: {  	[smem:$0x3F9C] =	sst lr;
	_ =	strace $0xD0000000  }
0x3: {  	_ = 	snop  }
0x4: {  	_ = 	snop  }
0x5: {  	_ = 	snop  }
0x6: {  	_ = 	snop  }
0x7: {  	_ = 	snop  }
__scs_overlays_trampoline_lowered:
0x8: {  	[smem:$0x3FAB] =	sst s0  }
0x9: {  	[smem:$0x3FAC] =	sst s1  }
0xa: {  	[smem:$0x3FAD] =	sst s2  }
0xb: {  	[smem:$0x3FAE] =	sst s3  }
0xc: {  	[smem:$0x3FAF] =	sst s4  }
0xd: {  	[smem:$0x3FB0] =	sst s5  }
0xe: {  	[smem:$0x3FB1] =	sst s6  }
0xf: {  	[smem:$0x3FB2] =	sst s7  }
0x10: {  	[smem:$0x3FB3] =	sst s8  }
0x11: {  	[smem:$0x3FB4] =	sst s9;
	s0 =	simm.s32 @!p0 $0x0  }
0x12: {  	s1 =	sld [smem:$0x3F9A];
	s0 =	simm.s32 @p0 $0x1  }
0x13: {  	[smem:$0x3FB5] =	sst s0;
	s0 =	simm.s32 @!p1 $0x0  }
0x14: {  	s2 =	sld [smem:$0x3F99];
	s0 =	simm.s32 @p1 $0x1  }
0x15: {  	[smem:$0x3FB6] =	sst s0;
	s0 =	simm.s32 @!p2 $0x0  }
0x16: {  	s3 =	sld [smem:$0x3FDB];
	s0 =	simm.s32 @p2 $0x1  }
0x17: {  	s4 =	simm.s32 $0x1BF5;
	[smem:$0x3FB8] =	sst s0  }
0x18: {  	s0 =	sld [smem:$0x3F9B];
	_ =	swait.ge [sflag:s4], $0x0  }
0x19: {  	s7 =	sld [smem:$0x3F9C]  }
0x1a: {  	s8 =	sadd.s32 $0xFFFFE003, lr  }
0x1b: {  	s9 =	sadd.s32 $0xFFFFFEF7, lr;
	s5 =	simm.s32 $0xFFFFFFFF;
	p2 =	slt.u32 s8, $0xFFFFF086  }
0x1c: {  	p1 =	slt.u32 s9, $0xF7A;
	s5 =	simm.s32 @!p2 $0x0  }
0x1d: {  	s5 =	simm.s32 @p1 $0x1;
	p0 =	seq.s32 s7, s2  }
0x1e: {  	s7 =	smul.u32 @!p0 $0xF7A, s2;
	p2 =	seq.s32 @!p0 s5, $0x0  }
0x1f: {  	s9 =	smul.u32 $0xF7A, s1;
	s8 =	simm.s32 @!p0 $0x1BF5;
	p2 =	por !p2, p0  }
0x20: {  	[sflag:s8] =	ssyncset.s32 @!p0 $0xFFFFF086;
	s6 =	sadd.s32 @!p0 s3, s7;
	s7 =	simm.s32 @!p0 $0x108  }
0x21: {  	s3 =	sadd.s32 s3, s9;
	s6 =	sadd.s32 @!p0 $0x88, s6;
	s7 =	simm.s32 @p2 $0x1082  }
0x22: {  	[simem:s7], [sflag:s8] =	dma.local @!p0 [hbm:s6], $0xF7A  }
0x23: {  	s9 =	sor.u32 $0xD0000000, s2;
	s6 =	simm.s32 $0x108;
	_ =	swait.ge @!p0 [sflag:s8], $0x0  }
0x24: {  	s3 =	sadd.s32 $0x88, s3;
	s6 =	simm.s32 @!p1 $0x1082;
	[sflag:s4] =	ssyncset.s32 $0xFFFFF086  }
0x25: {  	[simem:s6], [sflag:s4] =	dma.local [hbm:s3], $0xF7A  }
0x26: {  	[smem:$0x3F9C] =	sst s1;
	(tag) =	ssettag s2;
	_ =	strace s9  }
0x27: {  	s1 =	sld [smem:$0x3FAC]  }
0x28: {  	s2 =	sld [smem:$0x3FAD]  }
0x29: {  	s4 =	sld [smem:$0x3FAF]  }
0x2a: {  	p0 =	seq.s32 s5, $0x0;
	s5 =	sld [smem:$0x3FB0]  }
0x2b: {  	s6 =	sld [smem:$0x3FB1]  }
0x2c: {  	s7 =	sld [smem:$0x3FB2]  }
0x2d: {  	s3 =	simm.s32 $0x108;
	s8 =	sld [smem:$0x3FB3]  }
0x2e: {  	s3 =	simm.s32 @!p0 $0x1082;
	s9 =	sld [smem:$0x3FB4]  }
0x2f: {  	lr =	sadd.s32 s0, s3;
	s0 =	sld [smem:$0x3FAB]  }
0x30: {  	s3 =	sld [smem:$0x3FAE]  }
0x31: {  	[smem:$0x3FB7] =	sst s10  }
0x32: {  	s10 =	sld [smem:$0x3FB5];
	_ =	sdelay $0x3  }
0x33: {  	p0 =	seq.s32 s10, $0x1;
	s10 =	sld [smem:$0x3FB7];
	_ =	sdelay $0x3  }
0x34: {  	[smem:$0x3FB7] =	sst s10  }
0x35: {  	s10 =	sld [smem:$0x3FB6];
	_ =	sdelay $0x3  }
0x36: {  	p1 =	seq.s32 s10, $0x1;
	s10 =	sld [smem:$0x3FB7];
	_ =	sdelay $0x3  }
0x37: {  	[smem:$0x3FB7] =	sst s10  }
0x38: {  	s10 =	sld [smem:$0x3FB8]  }
0x39: {  	_ = 	snop;
	(pc) =	sbr.ind lr, $3  }
0x3a: {  	_ = 	snop  }
0x3b: {  	_ = 	snop  }
0x3c: {  	p2 =	seq.s32 s10, $0x1;
	s10 =	sld [smem:$0x3FB7]  }
0x3d: {  	_ =	shalt  }
0x3e: {  	_ =	shalt  }
0x3f: {  	_ =	shalt  }
0x40: {  	_ =	shalt  }
0x41: {  	_ =	shalt  }
0x42: {  	_ =	shalt  }
0x43: {  	_ =	shalt  }
0x44: {  	_ =	shalt  }
0x45: {  	_ =	shalt  }
0x46: {  	_ =	shalt  }
0x47: {  	_ =	shalt  }
0x48: {  	_ =	shalt  }
0x49: {  	_ =	shalt  }
0x4a: {  	_ =	shalt  }
0x4b: {  	_ =	shalt  }
0x4c: {  	_ =	shalt  }
0x4d: {  	_ =	shalt  }
0x4e: {  	_ =	shalt  }
0x4f: {  	_ =	shalt  }
0x50: {  	_ =	shalt  }
0x51: {  	_ =	shalt  }
0x52: {  	_ =	shalt  }
0x53: {  	_ =	shalt  }
0x54: {  	_ =	shalt  }
0x55: {  	_ =	shalt  }
0x56: {  	_ =	shalt  }
0x57: {  	_ =	shalt  }
0x58: {  	_ =	shalt  }
0x59: {  	_ =	shalt  }
0x5a: {  	_ =	shalt  }
0x5b: {  	_ =	shalt  }
0x5c: {  	_ =	shalt  }
0x5d: {  	_ =	shalt  }
0x5e: {  	_ =	shalt  }
0x5f: {  	_ =	shalt  }
0x60: {  	_ =	shalt  }
0x61: {  	_ =	shalt  }
0x62: {  	_ =	shalt  }
0x63: {  	_ =	shalt  }
0x64: {  	_ =	shalt  }
0x65: {  	_ =	shalt  }
0x66: {  	_ =	shalt  }
0x67: {  	_ =	shalt  }
0x68: {  	_ =	shalt  }
0x69: {  	_ =	shalt  }
0x6a: {  	_ =	shalt  }
0x6b: {  	_ =	shalt  }
0x6c: {  	_ =	shalt  }
0x6d: {  	_ =	shalt  }
0x6e: {  	_ =	shalt  }
0x6f: {  	_ =	shalt  }
0x70: {  	_ =	shalt  }
0x71: {  	_ =	shalt  }
0x72: {  	_ =	shalt  }
0x73: {  	_ =	shalt  }
0x74: {  	_ =	shalt  }
0x75: {  	_ =	shalt  }
0x76: {  	_ =	shalt  }
0x77: {  	_ =	shalt  }
0x78: {  	_ =	shalt  }
0x79: {  	_ =	shalt  }
0x7a: {  	_ =	shalt  }
0x7b: {  	_ =	shalt  }
0x7c: {  	_ =	shalt  }
0x7d: {  	_ =	shalt  }
0x7e: {  	_ =	shalt  }
0x7f: {  	_ =	shalt  }
0x80: {  	_ =	shalt  }
0x81: {  	_ =	shalt  }
0x82: {  	_ =	shalt  }
0x83: {  	_ =	shalt  }
0x84: {  	_ =	shalt  }
0x85: {  	_ =	shalt  }
0x86: {  	_ =	shalt  }
0x87: {  	_ =	shalt  }
.Lfunc_end0:
.L_simem_size_0:
called_computation_lowered:
.L_overlay_start_0:
0x88: {  	s2 =	sld [smem:$0x3FD9]  }
0x89: {  	s3 =	sld [smem:$0x3FFE];
	_ =	sdelay $0x1  }
0x8a: {  	s1 =	srdreg.scid  }
0x8b: {  	s0 =	sand.u32 $0x1, s1  }
0x8c: {  	s17 =	sshll.u32 s0, $0xA;
	s2 =	sadd.s32 s3, s2  }
0x8d: {  	s2 =	sadd.s32 s2, s17  }
0x8e: {  	[smem:$0x3FC3] =	sst s2  }
0x8f: {  	_ = 	snop  }
0x90: {  	s2 =	sld [smem:$0x3FC5];
	(tm) =	ssettm $0x1  }
0x91: {  	s18 =	sld [smem:$0x3FFB];
	_ =	sdelay $0x3  }
0x92: {  	_ =	strace s18  }
0x93: {  	s3 =	sld [smem:$0x3FFC];
	_ =	sdelay $0x3  }
0x94: {  	_ =	strace s3  }
0x95: {  	s3 =	sld [smem:$0x3FFD];
	_ =	sdelay $0x3  }
0x96: {  	_ =	strace s3  }
0x97: {  	_ =	strace $0x8FFFFFFF  }
0x98: {  	s19 =	sld [smem:$0x3FDB];
	_ =	sdelay $0x1  }
0x99: {  	s4 =	simm.s32 $_scs_section_size  }
0x9a: {  	s5 =	simm.s32 $_size__tile_overlayer_lowered;
	s6 =	simm.s32 $_tile_overlayer_lowered  }
0x9b: {  	s22 =	simm.s32 $0x1BFF;
	s21 =	sshll.u32 s6, $0x1;
	s3 =	sadd.s32 s4, s19  }
0x9c: {  	s7 =	simm.s32 $0x0;
	s20 =	sshll.u32 s5, $0x1;
	s5 =	sadd.s32 s21, s3  }
0x9d: {  	[timem:s7], [sflag:s22] =	dma.local [hbm:s5], s20  }
0x9e: {  	_ =	swait.ge [sflag:s22], s20  }
0x9f: {  	s4 =	ssub.s32 $0x0, s20;
	[sflag:s22] =	ssyncset.done $0x0  }
0xa0: {  	[sflag:s22] =	ssyncadd.s32 s4;
	_ =	sdelay $0x1  }
0xa1: {  	s23 =	simm.s32 $0x1B8B  }
0xa2: {  	_ =	swait.ge [sflag:s23], $0x1  }
0xa3: {  	[sflag:s23] =	ssyncset.done $0x0  }
0xa4: {  	s25 =	simm.s32 $0x1B8E;
	s24 =	sld [smem:$0x3FFE];
	[sflag:s23] =	ssyncadd.s32 $0xFFFFFFFF  }
0xa5: {  	s26 =	simm.s32 $execute0_lowered;
	[smem:$0x3FD2] =	sst s25  }
0xa6: {  	s5 =	sshll.u32 s26, $0x1;
	_ =	strace $0x80000046;
	[dreg:$0x1] =	wrdreg $0xFFFFFFFF  }
0xa7: {  	s28 =	simm.s32 $_size_execute0_lowered;
	s3 =	sadd.s32 s3, s5;
	[dreg:$0x0] =	wrdreg $0x0  }
0xa8: {  	s5 =	sshll.u32 s28, $0x1;
	[dreg:$0x2] =	wrdreg s3  }
0xa9: {  	[dreg:$0x3] =	wrdreg s5  }
0xaa: {  	[dreg:$0x4] =	wrdreg $0xC0  }
0xab: {  	_ =	task [dreg:s7], $0x5FFFF  }
0xac: {  	[dreg:$0x1] =	wrdreg $0xFFFFFFFF  }
0xad: {  	[dreg:$0x0] =	wrdreg $0x60  }
0xae: {  	[dreg:$0x2] =	wrdreg s2  }
0xaf: {  	[dreg:$0x3] =	wrdreg s24  }
0xb0: {  	[dreg:$0x4] =	wrdreg $0x9  }
0xb1: {  	_ =	task.clear_ibuf [dreg:s7], $0x5FFFF;
	_ =	strace $0x90000046  }
0xb2: {  	s29 =	simm.s32 $0x9;
	_ =	strace $0x80000048  }
0xb3: {  	_ =	swait.ge [sflag:s29], $0x1  }
0xb4: {  	[sflag:s29] =	ssyncadd.s32 $0xFFFFFFFF  }
0xb5: {  	_ =	strace $0x90000048  }
0xb6: {  	_ =	sfence  }
0xb7: {  	s30 =	sld [smem:$0x0];
	_ =	sdelay $0x2  }
0xb8: {  	s31 =	sshll.u32 s1, $0xD;
	s1 =	sshrl.u32 s1, $0x2  }
0xb9: {  	s3 =	sand.u32 $0x4000, s31;
	s1 =	sadd.s32 s1, s30  }
0xba: {  	s0 =	sor.u32 s3, s0;
	s1 =	sshll.u32 s1, $0x11  }
0xbb: {  	s0 =	sor.u32 s1, s0  }
0xbc: {  	s0 =	sadd.s32 $0x8F2B, s0  }
0xbd: {  	[sflag:s0] =	ssyncadd.remote.s32 $0x1  }
0xbe: {  	_ =	sfence.sel $0xFFFF  }
0xbf: {  	[dreg:$0x0] =	wrdreg $0xFFFFFFFF;
	(pc) =	sbr.abs _section_cstart, $3  }
0xc0: {  	[dreg:$0x1] =	wrdreg $0xFFFFFFFF  }
0xc1: {  	_ =	task.clear_ibuf [dreg:s7], $0x2FFFF;
	_ =	strace $0x9FFFFFFF  }
0xc2: {  	(tm) =	ssettm $0x7FFFFFFF  }
0xc3: {  	_ =	shalt  }
tec
execute0_lowered:
.L_overlay_start_1:
0x0: {  	(tag) =	ssettag $0x1  }
0x1: {  	s1 =	srdreg.scid;
	s2 =	rddreg [dreg:$0x0]  }
0x2: {  	s0 =	stileid.u32;
	s5 =	rddreg [dreg:$0x1];
	s6 =	simm.s32 $0x1  }
0x3: {  	s9 =	simm.s32 $0x1;
	s10 =	simm.s32 $0x3;
	s1 =	sshll.u32 s1, $0x8  }
0x4: {  	s13 =	simm.s32 $0x0;
	s3 =	sshll.u32 s0, $0x9;
	s4 =	sand.u32 $0x100, s1  }
0x5: {  	s12 =	simm.s32 $0x0;
	s1 =	rddreg [dreg:$0x2];
	s3 =	sor.u32 s3, s4  }
0x6: {  	_ =	strace $0x80000047;
	s4 =	sadd.s32 $0x8600, s5;
	s8 =	ssub.s32 $0x2400, s3  }
.Ltmp0:
0x7: {  	s5 =	sadd.s32 $0x8C00, s5;
	s7 =	sand.u32 $0x1F00, s8;
	(pc) =	sbr.rel .LBB2_1-.Ltmp0, $4  }
0x8: {  	[sflag:s6] =	ssyncpa.u1 $0x0;
	s11 =	smov.u32 s3;
	p0 =	sne.s32 s7, $0x0  }
0x9: {  	s8 =	sshrl.u32 s8, $0xD;
	s7 =	simm.s32 $0x2;
	s9 =	simm.s32 @!p0 $0x0  }
0xa: {  	[sflag:s7] =	ssyncpa.u1 $0x0;
	p0 =	por $0x0, $0x0;
	s8 =	sadd.s32 s9, s8  }
0xb: {  	vm0 =	vmmov $0xffff;
	[sflag:s10] =	ssyncpa.u1 $0x0;
	s10 =	simm.s32 $0x0;
	s9 =	sadd.s32 $0x1, s8  }
.LBB2_4:
0xc: {  	v2 =	vnsel vm1, $0x0, v2  }
0xd: {  	vm1 =	vgt.s32 v0, $0x0;
	v2 =	vmin.u32 v2, $0x1869F  }
0xe: {  	v0 =	vnsel vm1, $0x0, v0  }
0xf: {  	v0 =	vmin.u32 v0, $0x1869F  }
0x10: {  	[tilespmem:s15], [sflag:$0x1] =	stream.indirect_vreg.gather [hbm4b:s2+s10], $0x1, v1, vm0, $0x4038;
	[tilespmem:$0x400] =	vst v63  }
0x11: {  	(ifvalue) =	ssetifvalue $0x7FFFFFFF  }
0x12: {  	[tilespmem:s16], [sflag:$0x1] =	stream.indirect_vreg.gather [hbm4b:s2+s10], $0x1, v2, vm0, $0x4038;
	[tilespmem:$0x400] =	vst v63  }
0x13: {  	s29 =	sadd.s32 $0x10, s16;
	(ifvalue) =	ssetifvalue $0x7FFFFFFF  }
0x14: {  	[tilespmem:s29], [sflag:$0x1] =	stream.indirect_vreg.gather [hbm4b:s2+s10], $0x1, v0, vm0, $0x4038;
	[tilespmem:$0x400] =	vst v63  }
0x15: {  	_ =	swait.ge [sflag:s6], $0x100  }
0x16: {  	s30 =	sshrl.u32 s13, $0x3;
	[sflag:s6] =	ssyncset.done $0x0  }
0x17: {  	s31 =	sand.u32 $0x7, s13;
	s15 =	sadd.s32 s5, s30;
	[sflag:s6] =	ssyncadd.s32 $0xFFFFFF00  }
0x18: {  	[hbm4b:s15+s31] =	stream.linear.scatter [tilespmem:s14], [sflag:$0x3], $0x100, $0x38;
	[tilespmem:$0x400] =	vst v63  }
.LBB2_5:
0x19: {  	s15 =	sadd.s32 $0x2000, s11  }
0x1a: {  	p2 =	sgt.s32 s15, $0x23FF  }
0x1b: {  	s15 =	smov.u32 @p2 s3;
	p2 =	sne.s32 s12, s9  }
.Ltmp1:
0x1c: {  	p1 =	slt.u32 s12, $0x2;
	(pc) =	sbr.rel @!p2 .LBB2_6-.Ltmp1, $4  }
0x1d: {  	s14 =	simm.s32 @!p1 $0x3  }
0x1e: {  	s16 =	sadd.s32 $0x1, s12;
	_ =	swait.ge @!p1 [sflag:s14], $0x100  }
0x1f: {  	s13 =	smov.u32 s11;
	p0 =	por !p0, !p0;
	[sflag:s14] =	ssyncset.done @!p1 $0x0  }
0x20: {  	s12 =	smov.u32 s16;
	s11 =	smov.u32 s15;
	[sflag:s14] =	ssyncadd.s32 @!p1 $0xFFFFFF00  }
.LBB2_1:
0x21: {  	p1 =	sge.u32 s12, s8  }
0x22: {  	s14 =	sxor.u32 @!p1 $0xFFFFFFFF, s12  }
0x23: {  	s31 =	sadd.s32 $0xFFFFFFFF, s12;
	s15 =	sshrl.u32 @!p1 s11, $0x3;
	s14 =	sshll.u32 @!p1 s14, $0x8  }
0x24: {  	s16 =	sand.u32 @!p1 $0x7, s11;
	s15 =	sadd.s32 @!p1 s4, s15;
	s14 =	sand.u32 @!p1 $0x100, s14  }
0x25: {  	[tilespmem:s14], [sflag:$0x2] =	stream.linear.gather @!p1 [hbm4b:s15+s16], $0x100, $0x38;
	[tilespmem:$0x400] =	vst v63  }
0x26: {  	p1 =	sge.u32 s31, s8  }
.Ltmp2:
0x27: {  	_ = 	snop;
	(pc) =	sbr.rel @p1 .LBB2_5-.Ltmp2, $1  }
0x28: {  	_ =	sdelay $0x3  }
0x29: {  	s14 =	simm.s32 $0x1  }
0x2a: {  	_ =	swait.ge [sflag:s7], $0x100;
	s14 =	simm.s32 @!p0 $0x0  }
0x2b: {  	[sflag:s7] =	ssyncset.done $0x0;
	s14 =	sshll.u32 s14, $0x8  }
0x2c: {  	[sflag:s7] =	ssyncadd.s32 $0xFFFFFF00;
	(ifvalue) =	ssetifvalue $0x7FFFFFFF;
	v0 =	vld.msk [tilespmem:s14+$0x0 ss:$0x1], $0xffff;
	_ =	sdelay $0x4  }
0x2d: {  	s15 =	sadd.s32 $0x10, s14;
	vm1 =	vgt.s32 v0, $0x0  }
0x2e: {  	v2 =	vld.msk [tilespmem:s15+$0x0 ss:$0x1], $0xffff;
	v1 =	vnsel vm1, $0x0, v0  }
0x2f: {  	v1 =	vmin.u32 v1, $0x1869F;
	_ =	sdelay $0x1  }
0x30: {  	s16 =	sshll.u32 s12, $0x8;
	s18 =	simm.s32 $0x20  }
0x31: {  	s16 =	sand.u32 $0x100, s16;
	s17 =	sadd.s32 $0x10, s15;
	s15 =	sor.u32 $0x200, s14  }
0x32: {  	s14 =	sor.u32 $0x200, s16;
	s16 =	sadd.s32 $0x10, s15;
	v0 =	vld.msk [tilespmem:s17+$0x0 ss:$0x1], $0xffff;
	vm1 =	vgt.s32 v2, $0x0;
	(ifvalue) =	ssetifvalue $0x7FFFFFFF  }
.LBB2_3:
0x33: {  	[tilespmem:s15], [sflag:$0x1] =	stream.indirect_vreg.gather [hbm4b:s2+s10], $0x1, v1, vm0, $0x4038;
	[tilespmem:$0x400] =	vst v63  }
0x34: {  	s18 =	sadd.s32 $0x10, s18  }
0x35: {  	v2 =	vnsel vm1, $0x0, v2;
	p1 =	slt.u32 s18, $0xF0  }
.Ltmp3:
0x36: {  	s15 =	smov.u32 s16;
	v1 =	vmin.u32 v2, $0x1869F;
	(pc) =	sbr.rel @p1 .LBB2_3-.Ltmp3, $3  }
0x37: {  	_ =	sdelay $0x1  }
0x38: {  	s17 =	sadd.s32 $0x10, s17  }
0x39: {  	vm1 =	vgt.s32 v0, $0x0;
	s16 =	sadd.s32 $0x10, s16;
	v2 =	vmov v0;
	(ifvalue) =	ssetifvalue $0x7FFFFFFF;
	v0 =	vld.msk [tilespmem:s17+$0x0 ss:$0x1], $0xffff  }
.Ltmp4:
0x3a: {  	_ = 	snop;
	(pc) =	sbr.rel .LBB2_4-.Ltmp4, $1  }
0x3b: {  	_ =	sdelay $0x3  }
.LBB2_6:
0x3c: {  	_ =	sfence.sel $0x180000  }
0x3d: {  	s2 =	simm.s32 $0x2;
	[bflag:$0x0] =	sbarrier.arrive $0xFFFF  }
0x3e: {  	s30 =	simm.s32 $0x3;
	[sflag:s2] =	ssyncpa.u1 $0x1  }
0x3f: {  	s31 =	simm.s32 $0x1;
	[sflag:s30] =	ssyncpa.u1 $0x1  }
0x40: {  	[sflag:s31] =	ssyncpa.u1 $0x1  }
0x41: {  	p0 =	sne.s32 s0, $0x0;
	_ =	strace $0x90000047  }
0x42: {  	s0 =	sadd.s32 @!p0 $0x100000, s1;
	[bflag:$0x2] =	sbarrier.arrive $0xFFFF  }
0x43: {  	[sflag:s0] =	ssyncadd.tile.s32 @!p0 $0x1;
	_ =	shalt  }
.Lfunc_end2:
_tile_overlayer_lowered:
.L_overlay_start_2:
0x44: {  	(tag) =	ssettag $0x2  }
0x45: {  	s0 =	rddreg [dreg:$0x0];
	s2 =	stileid.u32  }
0x46: {  	s1 =	rddreg [dreg:$0x1];
	p0 =	sne.s32 s2, $0x0  }
0x47: {  	s3 =	rddreg [dreg:$0x2];
	[bflag:$0x3] =	sbarrier.arrive $0xFFFF;
	s2 =	simm.s32 @!p0 $0x1C01  }
0x48: {  	[timem:s3], [sflag:s2] =	dma.local @!p0 [hbm:s0], s1  }
0x49: {  	s0 =	simm.s32 @!p0 $0x1  }
0x4a: {  	_ =	swait.ge @!p0 [sflag:s0], s1  }
0x4b: {  	s1 =	ssub.s32 @!p0 $0x0, s1;
	[sflag:s0] =	ssyncset.done @!p0 $0x0  }
0x4c: {  	[sflag:s0] =	ssyncadd.s32 @!p0 s1  }
0x4d: {  	[bflag:$0x3] =	sbarrier.arrive $0xFFFF  }
0x4e: {  	_ =	shalt  }

</sc_bundles>
